<compile_context>
chip_gen: v7x
topology: tpu7x:2x2x1
jax: 0.10.2.dev20260603
libtpu: 0.0.44.dev20260713+nightly
codegen_flags: <defaults>
</compile_context>

<pallas_src>
import jax
import jax.numpy as jnp
from jax import lax
from jax.experimental import pallas as pl
from jax.experimental.pallas import tpu as pltpu
from jax.experimental.pallas import tpu_sc as plsc

NC = 2
NS = 16
S = 10000
HALF = S // 2
N = 320000
D = 128

C = 80
NTOT = N // C
NWIN = N // 16
TRASH = HALF
AR = HALF + 8
USML = HALF // NS
USBIG = HALF - 15 * USML


def _sc_body(u_hbm, v_hbm, b_hbm, out_hbm, vbuf_a, vbuf_b, vbuf_c, vbuf_d,
             iring, sbuf_v, acc, sem_in, sem_ix, sem_u, sem_sc):
  c = lax.axis_index("c")
  s = lax.axis_index("s")
  bufs = [vbuf_a, vbuf_b, vbuf_c, vbuf_d]

  @pl.when(s < NS - 1)
  def _():
    pltpu.async_copy(u_hbm.at[pl.ds(c * HALF + s * USML, USML)],
                     acc.at[pl.ds(s * USML, USML)], sem_u)
  @pl.when(s == NS - 1)
  def _():
    pltpu.async_copy(u_hbm.at[pl.ds(c * HALF + 15 * USML, USBIG)],
                     acc.at[pl.ds(15 * USML, USBIG)], sem_u)

  def bs_round(_, carry):
    lo, hi = carry
    done = lo >= hi
    wi = jnp.minimum((lo + hi) // 2, N // 8 - 1)
    p = 8 * wi
    wstart = jnp.minimum(p, N - 16)
    pltpu.sync_copy(b_hbm.at[pl.ds(wstart, 16)], sbuf_v)
    vec = sbuf_v[...]
    val = jnp.where(p == wstart, vec[0], vec[8])
    pred = val >= HALF
    return (jnp.where(done, lo, jnp.where(pred, lo, wi + 1)),
            jnp.where(done, hi, jnp.where(pred, wi, hi)))
  lo8, _ = lax.fori_loop(0, 16, bs_round, (jnp.int32(0), jnp.int32(N // 8)))
  rstar = 8 * lo8

  k_split = (rstar + (C - 1)) // C
  start = jnp.where(c == 0, 0, jnp.maximum(k_split - 1, 0))
  end = jnp.where(c == 0, k_split, NTOT)
  t_cnt = jnp.maximum((end - start - s + (NS - 1)) // NS, 0)
  base = start + s

  @pl.when(s < NS - 1)
  def _():
    pltpu.make_async_copy(u_hbm.at[pl.ds(0, USML)], acc.at[pl.ds(0, USML)],
                          sem_u).wait()
  @pl.when(s == NS - 1)
  def _():
    pltpu.make_async_copy(u_hbm.at[pl.ds(0, USBIG)], acc.at[pl.ds(0, USBIG)],
                          sem_u).wait()
  plsc.subcore_barrier()

  lo_vec = jnp.full((16,), 0, jnp.int32)
  hi_vec = jnp.full((16,), HALF, jnp.int32)
  trash16 = jnp.full((16,), TRASH, jnp.int32)

  def ingest(j, b):
    k = base + NS * j
    pltpu.async_copy(v_hbm.at[pl.ds(k * C, C)], bufs[b], sem_in)
    pltpu.async_copy(b_hbm.at[pl.ds(k * C, C)], iring.at[b], sem_ix)

  @pl.when(t_cnt > 0)
  def _():
    ingest(0, 0)
  @pl.when(t_cnt > 1)
  def _():
    ingest(1, 1)

  cbase = c * HALF

  def step(j, b):
    @pl.when(j + 2 < t_cnt)
    def _():
      ingest(j + 2, (b + 2) % 4)
    pltpu.make_async_copy(v_hbm.at[pl.ds(0, C)], bufs[b], sem_in).wait()
    pltpu.make_async_copy(b_hbm.at[pl.ds(0, C)], iring.at[b], sem_ix).wait()
    for q in range(C // 16):
      w = iring[b, pl.ds(q * 16, 16)] - cbase
      bad = (w < lo_vec) | (w >= hi_vec)
      iring[b, pl.ds(q * 16, 16)] = jnp.where(bad, trash16, w)
    pltpu.async_copy(bufs[b], acc.at[iring.at[b]], sem_sc, add=True)

  def body(j, _):
    @pl.when(j >= 2)
    def _():
      pltpu.make_async_copy(v_hbm.at[pl.ds(0, C)], vbuf_a, sem_sc).wait()
    for b in range(4):
      @pl.when(j % 4 == b)
      def _():
        step(j, b)
    return 0
  lax.fori_loop(0, t_cnt, body, 0)
  @pl.when(t_cnt > 0)
  def _():
    pltpu.make_async_copy(v_hbm.at[pl.ds(0, C)], vbuf_a, sem_sc).wait()
  @pl.when(t_cnt > 1)
  def _():
    pltpu.make_async_copy(v_hbm.at[pl.ds(0, C)], vbuf_a, sem_sc).wait()
  plsc.subcore_barrier()

  @pl.when(s < NS - 1)
  def _():
    pltpu.sync_copy(acc.at[pl.ds(s * USML, USML)],
                    out_hbm.at[pl.ds(c * HALF + s * USML, USML)])
  @pl.when(s == NS - 1)
  def _():
    pltpu.sync_copy(acc.at[pl.ds(15 * USML, USBIG)],
                    out_hbm.at[pl.ds(c * HALF + 15 * USML, USBIG)])


_sc_kernel = pl.kernel(
    _sc_body,
    out_type=jax.ShapeDtypeStruct((S, D), jnp.float32),
    mesh=plsc.VectorSubcoreMesh(core_axis_name="c", subcore_axis_name="s"),
    scratch_types=[
        pltpu.VMEM((C, D), jnp.float32),
        pltpu.VMEM((C, D), jnp.float32),
        pltpu.VMEM((C, D), jnp.float32),
        pltpu.VMEM((C, D), jnp.float32),
        pltpu.VMEM((4, C), jnp.int32),
        pltpu.VMEM((16,), jnp.int32),
        pltpu.VMEM_SHARED((AR, D), jnp.float32),
        pltpu.SemaphoreType.DMA,
        pltpu.SemaphoreType.DMA,
        pltpu.SemaphoreType.DMA,
        pltpu.SemaphoreType.DMA,
    ],
)


@jax.jit
def kernel(u, v, batch):
  return _sc_kernel(u, v, batch)

# --- scband reference (transcript-rebuilt; emitter-appended) ---
"""Pipeline reference for scband-update-u-5952824672703 (READ-ONLY COPY).

The authoritative reference and input builder live on the scoring server;
editing this copy changes nothing except your own understanding.
"""

import jax, jax.numpy as jnp
import numpy as np


def setup_inputs(seed: int = 0) -> dict:
    key = jax.random.key(seed)
    k1, k2, k3 = jax.random.split(key, 3)
    num_segments = 10000
    n = 320000
    d = 128
    u = jax.random.normal(k1, (num_segments, d), dtype=jnp.float32)
    v = jax.random.normal(k2, (n, d), dtype=jnp.float32)
    batch = jnp.sort(jax.random.randint(k3, (n,), 0, num_segments, dtype=jnp.int32))
    return {"u": u, "v": v, "batch": batch}


def reference(u, v, batch):
    # u += scatter(v, batch, dim=0)  (scatter-add / segment sum)
    out = u + jax.ops.segment_sum(v, batch, num_segments=u.shape[0])
    return out

if __name__ == "__main__":
    import jax
    _d = setup_inputs()
    print(jax.jit(kernel)(*tuple(_d.values())))

</pallas_src>

<mosaic_0001>
#map = affine_map<(d0, d1) -> (0, 0)>
#map1 = affine_map<(d0, d1) -> (0)>
module attributes {stable_mosaic.version = 14 : i64} {
  func.func @_sc_body(%arg0: i32, %arg1: i32, %arg2: memref<10000x128xf32, #tpu.memory_space<hbm>>, %arg3: memref<320000x128xf32, #tpu.memory_space<hbm>>, %arg4: memref<320000xi32, #tpu.memory_space<hbm>>, %arg5: memref<10000x128xf32, #tpu.memory_space<hbm>>, %arg6: memref<80x128xf32, #tpu.memory_space<vmem>>, %arg7: memref<80x128xf32, #tpu.memory_space<vmem>>, %arg8: memref<80x128xf32, #tpu.memory_space<vmem>>, %arg9: memref<80x128xf32, #tpu.memory_space<vmem>>, %arg10: memref<4x80xi32, #tpu.memory_space<vmem>>, %arg11: memref<16xi32, #tpu.memory_space<vmem>>, %arg12: memref<5008x128xf32, #tpu.memory_space<vmem_shared>>, %arg13: memref<!tpu.dma_semaphore, #tpu.memory_space<semaphore_mem>>, %arg14: memref<!tpu.dma_semaphore, #tpu.memory_space<semaphore_mem>>, %arg15: memref<!tpu.dma_semaphore, #tpu.memory_space<semaphore_mem>>, %arg16: memref<!tpu.dma_semaphore, #tpu.memory_space<semaphore_mem>>) attributes {dimension_semantics = [#tpu.dimension_semantics<core_parallel>, #tpu.dimension_semantics<subcore_parallel>], iteration_bounds = array<i64: 2, 16>, scalar_prefetch = 0 : i64, scratch_operands = 11 : i64, tpu.core_type = #tpu.core_type<sc_vector_subcore>, window_params = [{transform_indices = #map}, {transform_indices = #map}, {transform_indices = #map1}, {transform_indices = #map}]} {
    %lt3A = arith.constant 15 : i32
    %lt3A_0 = arith.cmpi slt, %arg1, %lt3A : i32
    %convert_element_type3A = arith.extui %lt3A_0 : i1 to i32
    %cond3A = arith.constant 0 : i32
    %cond3A_1 = arith.cmpi ne, %convert_element_type3A, %cond3A : i32
    scf.if %cond3A_1 {
      %mul3A_131 = arith.constant 5000 : i32
      %mul3A_132 = arith.muli %arg0, %mul3A_131 : i32
      %mul3A_133 = arith.constant 312 : i32
      %mul3A_134 = arith.muli %arg1, %mul3A_133 : i32
      %add3A_135 = arith.addi %mul3A_132, %mul3A_134 : i32
      %mul3A_136 = arith.constant 312 : i32
      %mul3A_137 = arith.muli %arg1, %mul3A_136 : i32
      %dma_start3A = arith.constant 0 : i32
      %dma_start3A_138 = tpu.memref_slice %arg12[%mul3A_137, %dma_start3A] : memref<5008x128xf32, #tpu.memory_space<vmem_shared>> -> memref<312x128xf32, #tpu.memory_space<vmem_shared>>
      %dma_start3A_139 = arith.constant 0 : i32
      %dma_start3A_140 = tpu.memref_slice %arg2[%add3A_135, %dma_start3A_139] : memref<10000x128xf32, #tpu.memory_space<hbm>> -> memref<312x128xf32, #tpu.memory_space<hbm>>
      tpu.enqueue_dma source(%dma_start3A_140 : memref<312x128xf32, #tpu.memory_space<hbm>>) target(%dma_start3A_138 : memref<312x128xf32, #tpu.memory_space<vmem_shared>>) target_semaphore(%arg15 : memref<!tpu.dma_semaphore, #tpu.memory_space<semaphore_mem>>)
    } else {
    }
    %eq3A = arith.constant 15 : i32
    %eq3A_2 = arith.cmpi eq, %arg1, %eq3A : i32
    %convert_element_type3A_3 = arith.extui %eq3A_2 : i1 to i32
    %cond3A_4 = arith.constant 0 : i32
    %cond3A_5 = arith.cmpi ne, %convert_element_type3A_3, %cond3A_4 : i32
    scf.if %cond3A_5 {
      %mul3A_131 = arith.constant 5000 : i32
      %mul3A_132 = arith.muli %arg0, %mul3A_131 : i32
      %add3A_133 = arith.constant 4680 : i32
      %add3A_134 = arith.addi %mul3A_132, %add3A_133 : i32
      %dma_start3A = arith.constant 4680 : i32
      %dma_start3A_135 = arith.constant 0 : i32
      %dma_start3A_136 = tpu.memref_slice %arg12[%dma_start3A, %dma_start3A_135] : memref<5008x128xf32, #tpu.memory_space<vmem_shared>> -> memref<320x128xf32, #tpu.memory_space<vmem_shared>>
      %dma_start3A_137 = arith.constant 0 : i32
      %dma_start3A_138 = tpu.memref_slice %arg2[%add3A_134, %dma_start3A_137] : memref<10000x128xf32, #tpu.memory_space<hbm>> -> memref<320x128xf32, #tpu.memory_space<hbm>>
      tpu.enqueue_dma source(%dma_start3A_138 : memref<320x128xf32, #tpu.memory_space<hbm>>) target(%dma_start3A_136 : memref<320x128xf32, #tpu.memory_space<vmem_shared>>) target_semaphore(%arg15 : memref<!tpu.dma_semaphore, #tpu.memory_space<semaphore_mem>>)
    } else {
    }
    %scan3A = arith.constant 0 : i32
    %scan3A_6 = arith.constant 40000 : i32
    %scan3A_7 = arith.constant 0 : i32
    %scan3A_8 = arith.constant 16 : i32
    %scan3A_9 = arith.addi %scan3A_7, %scan3A_8 : i32
    %scan3A_10 = arith.constant 1 : i32
    %scan3A_11:2 = scf.for %scan3A_131 = %scan3A_7 to %scan3A_9 step %scan3A_10 iter_args(%scan3A_132 = %scan3A, %scan3A_133 = %scan3A_6) -> (i32, i32)  : i32 {
      %ge3A = arith.cmpi sge, %scan3A_132, %scan3A_133 : i32
      %add3A_134 = arith.addi %scan3A_132, %scan3A_133 : i32
      %jit3A_135 = arith.constant 2 : i32
      %div3A_136 = arith.divsi %add3A_134, %jit3A_135 : i32
      %sign3A_137 = arith.constant 0 : i32
      %sign3A_138 = arith.cmpi sgt, %add3A_134, %sign3A_137 : i32
      %sign3A_139 = arith.extui %sign3A_138 : i1 to i32
      %sign3A_140 = arith.constant 0 : i32
      %sign3A_141 = arith.cmpi slt, %add3A_134, %sign3A_140 : i32
      %sign3A_142 = arith.extui %sign3A_141 : i1 to i32
      %sign3A_143 = arith.subi %sign3A_139, %sign3A_142 : i32
      %sign3A_144 = arith.constant 0 : i32
      %sign3A_145 = arith.cmpi sgt, %jit3A_135, %sign3A_144 : i32
      %sign3A_146 = arith.extui %sign3A_145 : i1 to i32
      %sign3A_147 = arith.constant 0 : i32
      %sign3A_148 = arith.cmpi slt, %jit3A_135, %sign3A_147 : i32
      %sign3A_149 = arith.extui %sign3A_148 : i1 to i32
      %sign3A_150 = arith.subi %sign3A_146, %sign3A_149 : i32
      %ne3A_151 = arith.cmpi ne, %sign3A_143, %sign3A_150 : i32
      %rem3A_152 = arith.remsi %add3A_134, %jit3A_135 : i32
      %ne3A_153 = arith.constant 0 : i32
      %ne3A_154 = arith.cmpi ne, %rem3A_152, %ne3A_153 : i32
      %and3A_155 = arith.andi %ne3A_151, %ne3A_154 : i1
      %sub3A_156 = arith.constant 1 : i32
      %sub3A_157 = arith.subi %div3A_136, %sub3A_156 : i32
      %select_n3A_158 = arith.select %and3A_155, %sub3A_157, %div3A_136 : i32
      %min3A = arith.constant 39999 : i32
      %min3A_159 = arith.minsi %select_n3A_158, %min3A : i32
      %mul3A_160 = arith.constant 8 : i32
      %mul3A_161 = arith.muli %mul3A_160, %min3A_159 : i32
      %min3A_162 = arith.constant 319984 : i32
      %min3A_163 = arith.minsi %mul3A_161, %min3A_162 : i32
      "tpu.region"() ({
        %run_scoped3A = tpu.sem_alloc : memref<!tpu.dma_semaphore, #tpu.memory_space<semaphore_mem>>
        %dma_start3A = tpu.memref_slice %arg4[%min3A_163] : memref<320000xi32, #tpu.memory_space<hbm>> -> memref<16xi32, #tpu.memory_space<hbm>>
        %dma_start3A_178 = tpu.memref_slice %arg4[%min3A_163] : memref<320000xi32, #tpu.memory_space<hbm>> -> memref<16xi32, #tpu.memory_space<hbm>>
        tpu.enqueue_dma source(%dma_start3A_178 : memref<16xi32, #tpu.memory_space<hbm>>) target(%arg11 : memref<16xi32, #tpu.memory_space<vmem>>) target_semaphore(%run_scoped3A : memref<!tpu.dma_semaphore, #tpu.memory_space<semaphore_mem>>)
        %dma_wait3A = tpu.memref_slice %arg4[%min3A_163] : memref<320000xi32, #tpu.memory_space<hbm>> -> memref<16xi32, #tpu.memory_space<hbm>>
        %dma_wait3A_179 = tpu.memref_slice %arg4[%min3A_163] : memref<320000xi32, #tpu.memory_space<hbm>> -> memref<16xi32, #tpu.memory_space<hbm>>
        tpu.wait_dma2 semaphore(%run_scoped3A : memref<!tpu.dma_semaphore, #tpu.memory_space<semaphore_mem>>) src(%dma_wait3A_179 : memref<16xi32, #tpu.memory_space<hbm>>) dst(%arg11 : memref<16xi32, #tpu.memory_space<vmem>>)
        tpu.yield
      }) : () -> ()
      %get3A = arith.constant 0 : index
      %get3A_164 = tpu.vector_load %arg11[%get3A] {strides = array<i32>} : memref<16xi32, #tpu.memory_space<vmem>>, vector<16xi32>,
      %get3A_165 = vector.shape_cast %get3A_164 : vector<16xi32> to vector<16xi32>
      %eq3A_166 = arith.cmpi eq, %mul3A_161, %min3A_163 : i32
      %slice3A = vector.extract_strided_slice %get3A_165 {offsets = [0], sizes = [1], strides = [1]} : vector<16xi32> to vector<1xi32>
      %squeeze3A = vector.extract %slice3A[0] : i32 from vector<1xi32>
      %slice3A_167 = vector.extract_strided_slice %get3A_165 {offsets = [8], sizes = [1], strides = [1]} : vector<16xi32> to vector<1xi32>
      %squeeze3A_168 = vector.extract %slice3A_167[0] : i32 from vector<1xi32>
      %select_n3A_169 = arith.select %eq3A_166, %squeeze3A, %squeeze3A_168 : i32
      %ge3A_170 = arith.constant 5000 : i32
      %ge3A_171 = arith.cmpi sge, %select_n3A_169, %ge3A_170 : i32
      %add3A_172 = arith.constant 1 : i32
      %add3A_173 = arith.addi %min3A_159, %add3A_172 : i32
      %select_n3A_174 = arith.select %ge3A_171, %scan3A_132, %add3A_173 : i32
      %select_n3A_175 = arith.select %ge3A, %scan3A_132, %select_n3A_174 : i32
      %select_n3A_176 = arith.select %ge3A_171, %min3A_159, %scan3A_133 : i32
      %select_n3A_177 = arith.select %ge3A, %scan3A_133, %select_n3A_176 : i32
      scf.yield %select_n3A_175, %select_n3A_177 : i32, i32
    }
    %scan3A_12 = arith.constant 16 : i32
    %mul3A = arith.constant 8 : i32
    %mul3A_13 = arith.muli %mul3A, %scan3A_11#0 : i32
    %add3A = arith.constant 79 : i32
    %add3A_14 = arith.addi %mul3A_13, %add3A : i32
    %jit3A = arith.constant 80 : i32
    %div3A = arith.divsi %add3A_14, %jit3A : i32
    %sign3A = arith.constant 0 : i32
    %sign3A_15 = arith.cmpi sgt, %add3A_14, %sign3A : i32
    %sign3A_16 = arith.extui %sign3A_15 : i1 to i32
    %sign3A_17 = arith.constant 0 : i32
    %sign3A_18 = arith.cmpi slt, %add3A_14, %sign3A_17 : i32
    %sign3A_19 = arith.extui %sign3A_18 : i1 to i32
    %sign3A_20 = arith.subi %sign3A_16, %sign3A_19 : i32
    %sign3A_21 = arith.constant 0 : i32
    %sign3A_22 = arith.cmpi sgt, %jit3A, %sign3A_21 : i32
    %sign3A_23 = arith.extui %sign3A_22 : i1 to i32
    %sign3A_24 = arith.constant 0 : i32
    %sign3A_25 = arith.cmpi slt, %jit3A, %sign3A_24 : i32
    %sign3A_26 = arith.extui %sign3A_25 : i1 to i32
    %sign3A_27 = arith.subi %sign3A_23, %sign3A_26 : i32
    %ne3A = arith.cmpi ne, %sign3A_20, %sign3A_27 : i32
    %rem3A = arith.remsi %add3A_14, %jit3A : i32
    %ne3A_28 = arith.constant 0 : i32
    %ne3A_29 = arith.cmpi ne, %rem3A, %ne3A_28 : i32
    %and3A = arith.andi %ne3A, %ne3A_29 : i1
    %sub3A = arith.constant 1 : i32
    %sub3A_30 = arith.subi %div3A, %sub3A : i32
    %select_n3A = arith.select %and3A, %sub3A_30, %div3A : i32
    %eq3A_31 = arith.constant 0 : i32
    %eq3A_32 = arith.cmpi eq, %arg0, %eq3A_31 : i32
    %sub3A_33 = arith.constant 1 : i32
    %sub3A_34 = arith.subi %select_n3A, %sub3A_33 : i32
    %max3A = arith.constant 0 : i32
    %max3A_35 = arith.maxsi %sub3A_34, %max3A : i32
    %jit3A_36 = arith.constant 0 : i32
    %select_n3A_37 = arith.select %eq3A_32, %jit3A_36, %max3A_35 : i32
    %eq3A_38 = arith.constant 0 : i32
    %eq3A_39 = arith.cmpi eq, %arg0, %eq3A_38 : i32
    %jit3A_40 = arith.constant 4000 : i32
    %select_n3A_41 = arith.select %eq3A_39, %select_n3A, %jit3A_40 : i32
    %sub3A_42 = arith.subi %select_n3A_41, %select_n3A_37 : i32
    %sub3A_43 = arith.subi %sub3A_42, %arg1 : i32
    %add3A_44 = arith.constant 15 : i32
    %add3A_45 = arith.addi %sub3A_43, %add3A_44 : i32
    %jit3A_46 = arith.constant 16 : i32
    %div3A_47 = arith.divsi %add3A_45, %jit3A_46 : i32
    %sign3A_48 = arith.constant 0 : i32
    %sign3A_49 = arith.cmpi sgt, %add3A_45, %sign3A_48 : i32
    %sign3A_50 = arith.extui %sign3A_49 : i1 to i32
    %sign3A_51 = arith.constant 0 : i32
    %sign3A_52 = arith.cmpi slt, %add3A_45, %sign3A_51 : i32
    %sign3A_53 = arith.extui %sign3A_52 : i1 to i32
    %sign3A_54 = arith.subi %sign3A_50, %sign3A_53 : i32
    %sign3A_55 = arith.constant 0 : i32
    %sign3A_56 = arith.cmpi sgt, %jit3A_46, %sign3A_55 : i32
    %sign3A_57 = arith.extui %sign3A_56 : i1 to i32
    %sign3A_58 = arith.constant 0 : i32
    %sign3A_59 = arith.cmpi slt, %jit3A_46, %sign3A_58 : i32
    %sign3A_60 = arith.extui %sign3A_59 : i1 to i32
    %sign3A_61 = arith.subi %sign3A_57, %sign3A_60 : i32
    %ne3A_62 = arith.cmpi ne, %sign3A_54, %sign3A_61 : i32
    %rem3A_63 = arith.remsi %add3A_45, %jit3A_46 : i32
    %ne3A_64 = arith.constant 0 : i32
    %ne3A_65 = arith.cmpi ne, %rem3A_63, %ne3A_64 : i32
    %and3A_66 = arith.andi %ne3A_62, %ne3A_65 : i1
    %sub3A_67 = arith.constant 1 : i32
    %sub3A_68 = arith.subi %div3A_47, %sub3A_67 : i32
    %select_n3A_69 = arith.select %and3A_66, %sub3A_68, %div3A_47 : i32
    %max3A_70 = arith.constant 0 : i32
    %max3A_71 = arith.maxsi %select_n3A_69, %max3A_70 : i32
    %add3A_72 = arith.addi %select_n3A_37, %arg1 : i32
    %lt3A_73 = arith.constant 15 : i32
    %lt3A_74 = arith.cmpi slt, %arg1, %lt3A_73 : i32
    %convert_element_type3A_75 = arith.extui %lt3A_74 : i1 to i32
    %cond3A_76 = arith.constant 0 : i32
    %cond3A_77 = arith.cmpi ne, %convert_element_type3A_75, %cond3A_76 : i32
    scf.if %cond3A_77 {
      %dma_wait3A = arith.constant 0 : i32
      %dma_wait3A_131 = arith.constant 0 : i32
      %dma_wait3A_132 = tpu.memref_slice %arg12[%dma_wait3A, %dma_wait3A_131] : memref<5008x128xf32, #tpu.memory_space<vmem_shared>> -> memref<312x128xf32, #tpu.memory_space<vmem_shared>>
      %dma_wait3A_133 = arith.constant 0 : i32
      %dma_wait3A_134 = arith.constant 0 : i32
      %dma_wait3A_135 = tpu.memref_slice %arg2[%dma_wait3A_133, %dma_wait3A_134] : memref<10000x128xf32, #tpu.memory_space<hbm>> -> memref<312x128xf32, #tpu.memory_space<hbm>>
      tpu.wait_dma2 semaphore(%arg15 : memref<!tpu.dma_semaphore, #tpu.memory_space<semaphore_mem>>) src(%dma_wait3A_135 : memref<312x128xf32, #tpu.memory_space<hbm>>) dst(%dma_wait3A_132 : memref<312x128xf32, #tpu.memory_space<vmem_shared>>)
    } else {
    }
    %eq3A_78 = arith.constant 15 : i32
    %eq3A_79 = arith.cmpi eq, %arg1, %eq3A_78 : i32
    %convert_element_type3A_80 = arith.extui %eq3A_79 : i1 to i32
    %cond3A_81 = arith.constant 0 : i32
    %cond3A_82 = arith.cmpi ne, %convert_element_type3A_80, %cond3A_81 : i32
    scf.if %cond3A_82 {
      %dma_wait3A = arith.constant 0 : i32
      %dma_wait3A_131 = arith.constant 0 : i32
      %dma_wait3A_132 = tpu.memref_slice %arg12[%dma_wait3A, %dma_wait3A_131] : memref<5008x128xf32, #tpu.memory_space<vmem_shared>> -> memref<320x128xf32, #tpu.memory_space<vmem_shared>>
      %dma_wait3A_133 = arith.constant 0 : i32
      %dma_wait3A_134 = arith.constant 0 : i32
      %dma_wait3A_135 = tpu.memref_slice %arg2[%dma_wait3A_133, %dma_wait3A_134] : memref<10000x128xf32, #tpu.memory_space<hbm>> -> memref<320x128xf32, #tpu.memory_space<hbm>>
      tpu.wait_dma2 semaphore(%arg15 : memref<!tpu.dma_semaphore, #tpu.memory_space<semaphore_mem>>) src(%dma_wait3A_135 : memref<320x128xf32, #tpu.memory_space<hbm>>) dst(%dma_wait3A_132 : memref<320x128xf32, #tpu.memory_space<vmem_shared>>)
    } else {
    }
    %barrier3A = arith.constant 0 : index
    tpu.barrier barrier_id(%barrier3A)
    %broadcast_in_dim3A = arith.constant 0 : i32
    %broadcast_in_dim3A_83 = vector.broadcast %broadcast_in_dim3A : i32 to vector<16xi32>
    %broadcast_in_dim3A_84 = arith.constant 5000 : i32
    %broadcast_in_dim3A_85 = vector.broadcast %broadcast_in_dim3A_84 : i32 to vector<16xi32>
    %broadcast_in_dim3A_86 = arith.constant 5000 : i32
    %broadcast_in_dim3A_87 = vector.broadcast %broadcast_in_dim3A_86 : i32 to vector<16xi32>
    %gt3A = arith.constant 0 : i32
    %gt3A_88 = arith.cmpi sgt, %max3A_71, %gt3A : i32
    %convert_element_type3A_89 = arith.extui %gt3A_88 : i1 to i32
    %cond3A_90 = arith.constant 0 : i32
    %cond3A_91 = arith.cmpi ne, %convert_element_type3A_89, %cond3A_90 : i32
    scf.if %cond3A_91 {
      %add3A_131 = arith.constant 0 : i32
      %add3A_132 = arith.addi %add3A_72, %add3A_131 : i32
      %mul3A_133 = arith.constant 80 : i32
      %mul3A_134 = arith.muli %add3A_132, %mul3A_133 : i32
      %dma_start3A = arith.constant 0 : i32
      %dma_start3A_135 = tpu.memref_slice %arg3[%mul3A_134, %dma_start3A] : memref<320000x128xf32, #tpu.memory_space<hbm>> -> memref<80x128xf32, #tpu.memory_space<hbm>>
      %dma_start3A_136 = arith.constant 0 : i32
      %dma_start3A_137 = tpu.memref_slice %arg3[%mul3A_134, %dma_start3A_136] : memref<320000x128xf32, #tpu.memory_space<hbm>> -> memref<80x128xf32, #tpu.memory_space<hbm>>
      tpu.enqueue_dma source(%dma_start3A_137 : memref<80x128xf32, #tpu.memory_space<hbm>>) target(%arg6 : memref<80x128xf32, #tpu.memory_space<vmem>>) target_semaphore(%arg13 : memref<!tpu.dma_semaphore, #tpu.memory_space<semaphore_mem>>)
      %mul3A_138 = arith.constant 80 : i32
      %mul3A_139 = arith.muli %add3A_132, %mul3A_138 : i32
      %dma_start3A_140 = arith.constant 0 : i32
      %dma_start3A_141 = arith.constant 0 : i32
      %dma_start3A_142 = tpu.memref_slice %arg10[%dma_start3A_140, %dma_start3A_141] : memref<4x80xi32, #tpu.memory_space<vmem>> -> memref<1x80xi32, #tpu.memory_space<vmem>>
      %dma_start3A_143 = tpu.memref_squeeze %dma_start3A_142 : memref<1x80xi32, #tpu.memory_space<vmem>> -> memref<80xi32, #tpu.memory_space<vmem>>
      %dma_start3A_144 = tpu.memref_slice %arg4[%mul3A_139] : memref<320000xi32, #tpu.memory_space<hbm>> -> memref<80xi32, #tpu.memory_space<hbm>>
      %dma_start3A_145 = arith.constant 0 : i32
      %dma_start3A_146 = tpu.memref_slice %arg10[%dma_start3A_140, %dma_start3A_145] : memref<4x80xi32, #tpu.memory_space<vmem>> -> memref<1x80xi32, #tpu.memory_space<vmem>>
      %dma_start3A_147 = tpu.memref_squeeze %dma_start3A_146 : memref<1x80xi32, #tpu.memory_space<vmem>> -> memref<80xi32, #tpu.memory_space<vmem>>
      %dma_start3A_148 = tpu.memref_slice %arg4[%mul3A_139] : memref<320000xi32, #tpu.memory_space<hbm>> -> memref<80xi32, #tpu.memory_space<hbm>>
      tpu.enqueue_dma source(%dma_start3A_148 : memref<80xi32, #tpu.memory_space<hbm>>) target(%dma_start3A_147 : memref<80xi32, #tpu.memory_space<vmem>>) target_semaphore(%arg14 : memref<!tpu.dma_semaphore, #tpu.memory_space<semaphore_mem>>)
    } else {
    }
    %gt3A_92 = arith.constant 1 : i32
    %gt3A_93 = arith.cmpi sgt, %max3A_71, %gt3A_92 : i32
    %convert_element_type3A_94 = arith.extui %gt3A_93 : i1 to i32
    %cond3A_95 = arith.constant 0 : i32
    %cond3A_96 = arith.cmpi ne, %convert_element_type3A_94, %cond3A_95 : i32
    scf.if %cond3A_96 {
      %add3A_131 = arith.constant 16 : i32
      %add3A_132 = arith.addi %add3A_72, %add3A_131 : i32
      %mul3A_133 = arith.constant 80 : i32
      %mul3A_134 = arith.muli %add3A_132, %mul3A_133 : i32
      %dma_start3A = arith.constant 0 : i32
      %dma_start3A_135 = tpu.memref_slice %arg3[%mul3A_134, %dma_start3A] : memref<320000x128xf32, #tpu.memory_space<hbm>> -> memref<80x128xf32, #tpu.memory_space<hbm>>
      %dma_start3A_136 = arith.constant 0 : i32
      %dma_start3A_137 = tpu.memref_slice %arg3[%mul3A_134, %dma_start3A_136] : memref<320000x128xf32, #tpu.memory_space<hbm>> -> memref<80x128xf32, #tpu.memory_space<hbm>>
      tpu.enqueue_dma source(%dma_start3A_137 : memref<80x128xf32, #tpu.memory_space<hbm>>) target(%arg7 : memref<80x128xf32, #tpu.memory_space<vmem>>) target_semaphore(%arg13 : memref<!tpu.dma_semaphore, #tpu.memory_space<semaphore_mem>>)
      %mul3A_138 = arith.constant 80 : i32
      %mul3A_139 = arith.muli %add3A_132, %mul3A_138 : i32
      %dma_start3A_140 = arith.constant 1 : i32
      %dma_start3A_141 = arith.constant 0 : i32
      %dma_start3A_142 = tpu.memref_slice %arg10[%dma_start3A_140, %dma_start3A_141] : memref<4x80xi32, #tpu.memory_space<vmem>> -> memref<1x80xi32, #tpu.memory_space<vmem>>
      %dma_start3A_143 = tpu.memref_squeeze %dma_start3A_142 : memref<1x80xi32, #tpu.memory_space<vmem>> -> memref<80xi32, #tpu.memory_space<vmem>>
      %dma_start3A_144 = tpu.memref_slice %arg4[%mul3A_139] : memref<320000xi32, #tpu.memory_space<hbm>> -> memref<80xi32, #tpu.memory_space<hbm>>
      %dma_start3A_145 = arith.constant 0 : i32
      %dma_start3A_146 = tpu.memref_slice %arg10[%dma_start3A_140, %dma_start3A_145] : memref<4x80xi32, #tpu.memory_space<vmem>> -> memref<1x80xi32, #tpu.memory_space<vmem>>
      %dma_start3A_147 = tpu.memref_squeeze %dma_start3A_146 : memref<1x80xi32, #tpu.memory_space<vmem>> -> memref<80xi32, #tpu.memory_space<vmem>>
      %dma_start3A_148 = tpu.memref_slice %arg4[%mul3A_139] : memref<320000xi32, #tpu.memory_space<hbm>> -> memref<80xi32, #tpu.memory_space<hbm>>
      tpu.enqueue_dma source(%dma_start3A_148 : memref<80xi32, #tpu.memory_space<hbm>>) target(%dma_start3A_147 : memref<80xi32, #tpu.memory_space<vmem>>) target_semaphore(%arg14 : memref<!tpu.dma_semaphore, #tpu.memory_space<semaphore_mem>>)
    } else {
    }
    %mul3A_97 = arith.constant 5000 : i32
    %mul3A_98 = arith.muli %arg0, %mul3A_97 : i32
    %while3A = arith.constant 0 : i32
    %while3A_99 = arith.constant 0 : i32
    %while3A_100 = arith.subi %max3A_71, %while3A : i32
    %while3A_101 = arith.addi %while3A, %while3A_100 : i32
    %while3A_102 = arith.constant 1 : i32
    %while3A_103 = arith.divsi %while3A_100, %while3A_102 : i32
    %while3A_104 = arith.muli %while3A_103, %while3A_102 : i32
    %while3A_105 = arith.addi %while3A, %while3A_104 : i32
    %while3A_106 = arith.constant 1 : i32
    %while3A_107 = scf.for %while3A_131 = %while3A to %while3A_105 step %while3A_106 iter_args(%while3A_132 = %while3A_99) -> (i32)  : i32 {
      %ge3A = arith.constant 2 : i32
      %ge3A_133 = arith.cmpi sge, %while3A_131, %ge3A : i32
      %convert_element_type3A_134 = arith.extui %ge3A_133 : i1 to i32
      %cond3A_135 = arith.constant 0 : i32
      %cond3A_136 = arith.cmpi ne, %convert_element_type3A_134, %cond3A_135 : i32
      scf.if %cond3A_136 {
        %dma_wait3A = arith.constant 0 : i32
        %dma_wait3A_222 = arith.constant 0 : i32
        %dma_wait3A_223 = tpu.memref_slice %arg3[%dma_wait3A, %dma_wait3A_222] : memref<320000x128xf32, #tpu.memory_space<hbm>> -> memref<80x128xf32, #tpu.memory_space<hbm>>
        %dma_wait3A_224 = arith.constant 0 : i32
        %dma_wait3A_225 = arith.constant 0 : i32
        %dma_wait3A_226 = tpu.memref_slice %arg3[%dma_wait3A_224, %dma_wait3A_225] : memref<320000x128xf32, #tpu.memory_space<hbm>> -> memref<80x128xf32, #tpu.memory_space<hbm>>
        tpu.wait_dma2 semaphore(%arg16 : memref<!tpu.dma_semaphore, #tpu.memory_space<semaphore_mem>>) src(%dma_wait3A_226 : memref<80x128xf32, #tpu.memory_space<hbm>>) dst(%arg6 : memref<80x128xf32, #tpu.memory_space<vmem>>)
      } else {
      }
      %jit3A_137 = arith.constant 4 : i32
      %eq3A_138 = arith.constant 0 : i32
      %eq3A_139 = arith.cmpi eq, %jit3A_137, %eq3A_138 : i32
      %jit3A_140 = arith.constant 1 : i32
      %select_n3A_141 = arith.select %eq3A_139, %jit3A_140, %jit3A_137 : i32
      %rem3A_142 = arith.remsi %while3A_131, %select_n3A_141 : i32
      %ne3A_143 = arith.constant 0 : i32
      %ne3A_144 = arith.cmpi ne, %rem3A_142, %ne3A_143 : i32
      %lt3A_145 = arith.constant 0 : i32
      %lt3A_146 = arith.cmpi slt, %rem3A_142, %lt3A_145 : i32
      %lt3A_147 = arith.constant 0 : i32
      %lt3A_148 = arith.cmpi slt, %select_n3A_141, %lt3A_147 : i32
      %ne3A_149 = arith.xori %lt3A_146, %lt3A_148 : i1
      %and3A_150 = arith.andi %ne3A_149, %ne3A_144 : i1
      %add3A_151 = arith.addi %rem3A_142, %select_n3A_141 : i32
      %select_n3A_152 = arith.select %and3A_150, %add3A_151, %rem3A_142 : i32
      %eq3A_153 = arith.constant 0 : i32
      %eq3A_154 = arith.cmpi eq, %select_n3A_152, %eq3A_153 : i32
      %convert_element_type3A_155 = arith.extui %eq3A_154 : i1 to i32
      %cond3A_156 = arith.constant 0 : i32
      %cond3A_157 = arith.cmpi ne, %convert_element_type3A_155, %cond3A_156 : i32
      scf.if %cond3A_157 {
        %add3A_222 = arith.constant 2 : i32
        %add3A_223 = arith.addi %while3A_131, %add3A_222 : i32
        %lt3A_224 = arith.cmpi slt, %add3A_223, %max3A_71 : i32
        %convert_element_type3A_225 = arith.extui %lt3A_224 : i1 to i32
        %cond3A_226 = arith.constant 0 : i32
        %cond3A_227 = arith.cmpi ne, %convert_element_type3A_225, %cond3A_226 : i32
        scf.if %cond3A_227 {
          %add3A_332 = arith.constant 2 : i32
          %add3A_333 = arith.addi %while3A_131, %add3A_332 : i32
          %mul3A_334 = arith.constant 16 : i32
          %mul3A_335 = arith.muli %mul3A_334, %add3A_333 : i32
          %add3A_336 = arith.addi %add3A_72, %mul3A_335 : i32
          %mul3A_337 = arith.constant 80 : i32
          %mul3A_338 = arith.muli %add3A_336, %mul3A_337 : i32
          %dma_start3A_339 = arith.constant 0 : i32
          %dma_start3A_340 = tpu.memref_slice %arg3[%mul3A_338, %dma_start3A_339] : memref<320000x128xf32, #tpu.memory_space<hbm>> -> memref<80x128xf32, #tpu.memory_space<hbm>>
          %dma_start3A_341 = arith.constant 0 : i32
          %dma_start3A_342 = tpu.memref_slice %arg3[%mul3A_338, %dma_start3A_341] : memref<320000x128xf32, #tpu.memory_space<hbm>> -> memref<80x128xf32, #tpu.memory_space<hbm>>
          tpu.enqueue_dma source(%dma_start3A_342 : memref<80x128xf32, #tpu.memory_space<hbm>>) target(%arg8 : memref<80x128xf32, #tpu.memory_space<vmem>>) target_semaphore(%arg13 : memref<!tpu.dma_semaphore, #tpu.memory_space<semaphore_mem>>)
          %mul3A_343 = arith.constant 80 : i32
          %mul3A_344 = arith.muli %add3A_336, %mul3A_343 : i32
          %dma_start3A_345 = arith.constant 2 : i32
          %dma_start3A_346 = arith.constant 0 : i32
          %dma_start3A_347 = tpu.memref_slice %arg10[%dma_start3A_345, %dma_start3A_346] : memref<4x80xi32, #tpu.memory_space<vmem>> -> memref<1x80xi32, #tpu.memory_space<vmem>>
          %dma_start3A_348 = tpu.memref_squeeze %dma_start3A_347 : memref<1x80xi32, #tpu.memory_space<vmem>> -> memref<80xi32, #tpu.memory_space<vmem>>
          %dma_start3A_349 = tpu.memref_slice %arg4[%mul3A_344] : memref<320000xi32, #tpu.memory_space<hbm>> -> memref<80xi32, #tpu.memory_space<hbm>>
          %dma_start3A_350 = arith.constant 0 : i32
          %dma_start3A_351 = tpu.memref_slice %arg10[%dma_start3A_345, %dma_start3A_350] : memref<4x80xi32, #tpu.memory_space<vmem>> -> memref<1x80xi32, #tpu.memory_space<vmem>>
          %dma_start3A_352 = tpu.memref_squeeze %dma_start3A_351 : memref<1x80xi32, #tpu.memory_space<vmem>> -> memref<80xi32, #tpu.memory_space<vmem>>
          %dma_start3A_353 = tpu.memref_slice %arg4[%mul3A_344] : memref<320000xi32, #tpu.memory_space<hbm>> -> memref<80xi32, #tpu.memory_space<hbm>>
          tpu.enqueue_dma source(%dma_start3A_353 : memref<80xi32, #tpu.memory_space<hbm>>) target(%dma_start3A_352 : memref<80xi32, #tpu.memory_space<vmem>>) target_semaphore(%arg14 : memref<!tpu.dma_semaphore, #tpu.memory_space<semaphore_mem>>)
        } else {
        }
        %dma_wait3A = arith.constant 0 : i32
        %dma_wait3A_228 = arith.constant 0 : i32
        %dma_wait3A_229 = tpu.memref_slice %arg3[%dma_wait3A, %dma_wait3A_228] : memref<320000x128xf32, #tpu.memory_space<hbm>> -> memref<80x128xf32, #tpu.memory_space<hbm>>
        %dma_wait3A_230 = arith.constant 0 : i32
        %dma_wait3A_231 = arith.constant 0 : i32
        %dma_wait3A_232 = tpu.memref_slice %arg3[%dma_wait3A_230, %dma_wait3A_231] : memref<320000x128xf32, #tpu.memory_space<hbm>> -> memref<80x128xf32, #tpu.memory_space<hbm>>
        tpu.wait_dma2 semaphore(%arg13 : memref<!tpu.dma_semaphore, #tpu.memory_space<semaphore_mem>>) src(%dma_wait3A_232 : memref<80x128xf32, #tpu.memory_space<hbm>>) dst(%arg6 : memref<80x128xf32, #tpu.memory_space<vmem>>)
        %dma_wait3A_233 = arith.constant 0 : i32
        %dma_wait3A_234 = arith.constant 0 : i32
        %dma_wait3A_235 = tpu.memref_slice %arg10[%dma_wait3A_233, %dma_wait3A_234] : memref<4x80xi32, #tpu.memory_space<vmem>> -> memref<1x80xi32, #tpu.memory_space<vmem>>
        %dma_wait3A_236 = tpu.memref_squeeze %dma_wait3A_235 : memref<1x80xi32, #tpu.memory_space<vmem>> -> memref<80xi32, #tpu.memory_space<vmem>>
        %dma_wait3A_237 = arith.constant 0 : i32
        %dma_wait3A_238 = tpu.memref_slice %arg4[%dma_wait3A_237] : memref<320000xi32, #tpu.memory_space<hbm>> -> memref<80xi32, #tpu.memory_space<hbm>>
        %dma_wait3A_239 = arith.constant 0 : i32
        %dma_wait3A_240 = tpu.memref_slice %arg10[%dma_wait3A_233, %dma_wait3A_239] : memref<4x80xi32, #tpu.memory_space<vmem>> -> memref<1x80xi32, #tpu.memory_space<vmem>>
        %dma_wait3A_241 = tpu.memref_squeeze %dma_wait3A_240 : memref<1x80xi32, #tpu.memory_space<vmem>> -> memref<80xi32, #tpu.memory_space<vmem>>
        %dma_wait3A_242 = arith.constant 0 : i32
        %dma_wait3A_243 = tpu.memref_slice %arg4[%dma_wait3A_242] : memref<320000xi32, #tpu.memory_space<hbm>> -> memref<80xi32, #tpu.memory_space<hbm>>
        tpu.wait_dma2 semaphore(%arg14 : memref<!tpu.dma_semaphore, #tpu.memory_space<semaphore_mem>>) src(%dma_wait3A_243 : memref<80xi32, #tpu.memory_space<hbm>>) dst(%dma_wait3A_241 : memref<80xi32, #tpu.memory_space<vmem>>)
        %get3A = arith.constant 0 : i32
        %get3A_244 = arith.index_cast %get3A : i32 to index
        %get3A_245 = arith.constant 0 : index
        %get3A_246 = tpu.vector_load %arg10[%get3A_244, %get3A_245] {strides = array<i32>} : memref<4x80xi32, #tpu.memory_space<vmem>>, vector<1x16xi32>,
        %get3A_247 = vector.shape_cast %get3A_246 : vector<1x16xi32> to vector<16xi32>
        %sub3A_248 = vector.broadcast %mul3A_98 : i32 to vector<16xi32>
        %sub3A_249 = arith.subi %get3A_247, %sub3A_248 : vector<16xi32>
        %lt3A_250 = arith.cmpi slt, %sub3A_249, %broadcast_in_dim3A_83 : vector<16xi32>
        %ge3A_251 = arith.cmpi sge, %sub3A_249, %broadcast_in_dim3A_85 : vector<16xi32>
        %or3A = arith.ori %lt3A_250, %ge3A_251 : vector<16xi1>
        %select_n3A_252 = arith.select %or3A, %broadcast_in_dim3A_87, %sub3A_249 : vector<16xi1>, vector<16xi32>
        %swap3A = arith.constant 0 : i32
        %swap3A_253 = arith.index_cast %swap3A : i32 to index
        %swap3A_254 = arith.constant 0 : index
        %swap3A_255 = tpu.vector_load %arg10[%swap3A_253, %swap3A_254] {strides = array<i32>} : memref<4x80xi32, #tpu.memory_space<vmem>>, vector<1x16xi32>,
        %swap3A_256 = vector.shape_cast %swap3A_255 : vector<1x16xi32> to vector<16xi32>
        %swap3A_257 = vector.shape_cast %select_n3A_252 : vector<16xi32> to vector<1x16xi32>
        tpu.vector_store %arg10[%swap3A_253, %swap3A_254], %swap3A_257 {strides = array<i32>} : memref<4x80xi32, #tpu.memory_space<vmem>>, vector<1x16xi32>,
        %get3A_258 = arith.constant 0 : i32
        %get3A_259 = arith.index_cast %get3A_258 : i32 to index
        %get3A_260 = arith.constant 16 : index
        %get3A_261 = tpu.vector_load %arg10[%get3A_259, %get3A_260] {strides = array<i32>} : memref<4x80xi32, #tpu.memory_space<vmem>>, vector<1x16xi32>,
        %get3A_262 = vector.shape_cast %get3A_261 : vector<1x16xi32> to vector<16xi32>
        %sub3A_263 = vector.broadcast %mul3A_98 : i32 to vector<16xi32>
        %sub3A_264 = arith.subi %get3A_262, %sub3A_263 : vector<16xi32>
        %lt3A_265 = arith.cmpi slt, %sub3A_264, %broadcast_in_dim3A_83 : vector<16xi32>
        %ge3A_266 = arith.cmpi sge, %sub3A_264, %broadcast_in_dim3A_85 : vector<16xi32>
        %or3A_267 = arith.ori %lt3A_265, %ge3A_266 : vector<16xi1>
        %select_n3A_268 = arith.select %or3A_267, %broadcast_in_dim3A_87, %sub3A_264 : vector<16xi1>, vector<16xi32>
        %swap3A_269 = arith.constant 0 : i32
        %swap3A_270 = arith.index_cast %swap3A_269 : i32 to index
        %swap3A_271 = arith.constant 16 : index
        %swap3A_272 = tpu.vector_load %arg10[%swap3A_270, %swap3A_271] {strides = array<i32>} : memref<4x80xi32, #tpu.memory_space<vmem>>, vector<1x16xi32>,
        %swap3A_273 = vector.shape_cast %swap3A_272 : vector<1x16xi32> to vector<16xi32>
        %swap3A_274 = vector.shape_cast %select_n3A_268 : vector<16xi32> to vector<1x16xi32>
        tpu.vector_store %arg10[%swap3A_270, %swap3A_271], %swap3A_274 {strides = array<i32>} : memref<4x80xi32, #tpu.memory_space<vmem>>, vector<1x16xi32>,
        %get3A_275 = arith.constant 0 : i32
        %get3A_276 = arith.index_cast %get3A_275 : i32 to index
        %get3A_277 = arith.constant 32 : index
        %get3A_278 = tpu.vector_load %arg10[%get3A_276, %get3A_277] {strides = array<i32>} : memref<4x80xi32, #tpu.memory_space<vmem>>, vector<1x16xi32>,
        %get3A_279 = vector.shape_cast %get3A_278 : vector<1x16xi32> to vector<16xi32>
        %sub3A_280 = vector.broadcast %mul3A_98 : i32 to vector<16xi32>
        %sub3A_281 = arith.subi %get3A_279, %sub3A_280 : vector<16xi32>
        %lt3A_282 = arith.cmpi slt, %sub3A_281, %broadcast_in_dim3A_83 : vector<16xi32>
        %ge3A_283 = arith.cmpi sge, %sub3A_281, %broadcast_in_dim3A_85 : vector<16xi32>
        %or3A_284 = arith.ori %lt3A_282, %ge3A_283 : vector<16xi1>
        %select_n3A_285 = arith.select %or3A_284, %broadcast_in_dim3A_87, %sub3A_281 : vector<16xi1>, vector<16xi32>
        %swap3A_286 = arith.constant 0 : i32
        %swap3A_287 = arith.index_cast %swap3A_286 : i32 to index
        %swap3A_288 = arith.constant 32 : index
        %swap3A_289 = tpu.vector_load %arg10[%swap3A_287, %swap3A_288] {strides = array<i32>} : memref<4x80xi32, #tpu.memory_space<vmem>>, vector<1x16xi32>,
        %swap3A_290 = vector.shape_cast %swap3A_289 : vector<1x16xi32> to vector<16xi32>
        %swap3A_291 = vector.shape_cast %select_n3A_285 : vector<16xi32> to vector<1x16xi32>
        tpu.vector_store %arg10[%swap3A_287, %swap3A_288], %swap3A_291 {strides = array<i32>} : memref<4x80xi32, #tpu.memory_space<vmem>>, vector<1x16xi32>,
        %get3A_292 = arith.constant 0 : i32
        %get3A_293 = arith.index_cast %get3A_292 : i32 to index
        %get3A_294 = arith.constant 48 : index
        %get3A_295 = tpu.vector_load %arg10[%get3A_293, %get3A_294] {strides = array<i32>} : memref<4x80xi32, #tpu.memory_space<vmem>>, vector<1x16xi32>,
        %get3A_296 = vector.shape_cast %get3A_295 : vector<1x16xi32> to vector<16xi32>
        %sub3A_297 = vector.broadcast %mul3A_98 : i32 to vector<16xi32>
        %sub3A_298 = arith.subi %get3A_296, %sub3A_297 : vector<16xi32>
        %lt3A_299 = arith.cmpi slt, %sub3A_298, %broadcast_in_dim3A_83 : vector<16xi32>
        %ge3A_300 = arith.cmpi sge, %sub3A_298, %broadcast_in_dim3A_85 : vector<16xi32>
        %or3A_301 = arith.ori %lt3A_299, %ge3A_300 : vector<16xi1>
        %select_n3A_302 = arith.select %or3A_301, %broadcast_in_dim3A_87, %sub3A_298 : vector<16xi1>, vector<16xi32>
        %swap3A_303 = arith.constant 0 : i32
        %swap3A_304 = arith.index_cast %swap3A_303 : i32 to index
        %swap3A_305 = arith.constant 48 : index
        %swap3A_306 = tpu.vector_load %arg10[%swap3A_304, %swap3A_305] {strides = array<i32>} : memref<4x80xi32, #tpu.memory_space<vmem>>, vector<1x16xi32>,
        %swap3A_307 = vector.shape_cast %swap3A_306 : vector<1x16xi32> to vector<16xi32>
        %swap3A_308 = vector.shape_cast %select_n3A_302 : vector<16xi32> to vector<1x16xi32>
        tpu.vector_store %arg10[%swap3A_304, %swap3A_305], %swap3A_308 {strides = array<i32>} : memref<4x80xi32, #tpu.memory_space<vmem>>, vector<1x16xi32>,
        %get3A_309 = arith.constant 0 : i32
        %get3A_310 = arith.index_cast %get3A_309 : i32 to index
        %get3A_311 = arith.constant 64 : index
        %get3A_312 = tpu.vector_load %arg10[%get3A_310, %get3A_311] {strides = array<i32>} : memref<4x80xi32, #tpu.memory_space<vmem>>, vector<1x16xi32>,
        %get3A_313 = vector.shape_cast %get3A_312 : vector<1x16xi32> to vector<16xi32>
        %sub3A_314 = vector.broadcast %mul3A_98 : i32 to vector<16xi32>
        %sub3A_315 = arith.subi %get3A_313, %sub3A_314 : vector<16xi32>
        %lt3A_316 = arith.cmpi slt, %sub3A_315, %broadcast_in_dim3A_83 : vector<16xi32>
        %ge3A_317 = arith.cmpi sge, %sub3A_315, %broadcast_in_dim3A_85 : vector<16xi32>
        %or3A_318 = arith.ori %lt3A_316, %ge3A_317 : vector<16xi1>
        %select_n3A_319 = arith.select %or3A_318, %broadcast_in_dim3A_87, %sub3A_315 : vector<16xi1>, vector<16xi32>
        %swap3A_320 = arith.constant 0 : i32
        %swap3A_321 = arith.index_cast %swap3A_320 : i32 to index
        %swap3A_322 = arith.constant 64 : index
        %swap3A_323 = tpu.vector_load %arg10[%swap3A_321, %swap3A_322] {strides = array<i32>} : memref<4x80xi32, #tpu.memory_space<vmem>>, vector<1x16xi32>,
        %swap3A_324 = vector.shape_cast %swap3A_323 : vector<1x16xi32> to vector<16xi32>
        %swap3A_325 = vector.shape_cast %select_n3A_319 : vector<16xi32> to vector<1x16xi32>
        tpu.vector_store %arg10[%swap3A_321, %swap3A_322], %swap3A_325 {strides = array<i32>} : memref<4x80xi32, #tpu.memory_space<vmem>>, vector<1x16xi32>,
        %dma_start3A = arith.constant 0 : i32
        %dma_start3A_326 = arith.constant 0 : i32
        %dma_start3A_327 = tpu.memref_slice %arg10[%dma_start3A, %dma_start3A_326] : memref<4x80xi32, #tpu.memory_space<vmem>> -> memref<1x80xi32, #tpu.memory_space<vmem>>
        %dma_start3A_328 = tpu.memref_squeeze %dma_start3A_327 : memref<1x80xi32, #tpu.memory_space<vmem>> -> memref<80xi32, #tpu.memory_space<vmem>>
        %dma_start3A_329 = arith.constant 0 : i32
        %dma_start3A_330 = arith.constant 0 : i32
        %dma_start3A_331 = tpu.memref_slice %arg12[%dma_start3A_329, %dma_start3A_330] : memref<5008x128xf32, #tpu.memory_space<vmem_shared>> -> memref<5008x128xf32, #tpu.memory_space<vmem_shared>>
        tpu.enqueue_indirect_dma source(%arg6 : memref<80x128xf32, #tpu.memory_space<vmem>>) target(%dma_start3A_331 : memref<5008x128xf32, #tpu.memory_space<vmem_shared>>) offsets(%dma_start3A_328 : memref<80xi32, #tpu.memory_space<vmem>>) semaphore(%arg16 : memref<!tpu.dma_semaphore, #tpu.memory_space<semaphore_mem>>) {add = true}
      } else {
      }
      %jit3A_158 = arith.constant 4 : i32
      %eq3A_159 = arith.constant 0 : i32
      %eq3A_160 = arith.cmpi eq, %jit3A_158, %eq3A_159 : i32
      %jit3A_161 = arith.constant 1 : i32
      %select_n3A_162 = arith.select %eq3A_160, %jit3A_161, %jit3A_158 : i32
      %rem3A_163 = arith.remsi %while3A_131, %select_n3A_162 : i32
      %ne3A_164 = arith.constant 0 : i32
      %ne3A_165 = arith.cmpi ne, %rem3A_163, %ne3A_164 : i32
      %lt3A_166 = arith.constant 0 : i32
      %lt3A_167 = arith.cmpi slt, %rem3A_163, %lt3A_166 : i32
      %lt3A_168 = arith.constant 0 : i32
      %lt3A_169 = arith.cmpi slt, %select_n3A_162, %lt3A_168 : i32
      %ne3A_170 = arith.xori %lt3A_167, %lt3A_169 : i1
      %and3A_171 = arith.andi %ne3A_170, %ne3A_165 : i1
      %add3A_172 = arith.addi %rem3A_163, %select_n3A_162 : i32
      %select_n3A_173 = arith.select %and3A_171, %add3A_172, %rem3A_163 : i32
      %eq3A_174 = arith.constant 1 : i32
      %eq3A_175 = arith.cmpi eq, %select_n3A_173, %eq3A_174 : i32
      %convert_element_type3A_176 = arith.extui %eq3A_175 : i1 to i32
      %cond3A_177 = arith.constant 0 : i32
      %cond3A_178 = arith.cmpi ne, %convert_element_type3A_176, %cond3A_177 : i32
      scf.if %cond3A_178 {
        %add3A_222 = arith.constant 2 : i32
        %add3A_223 = arith.addi %while3A_131, %add3A_222 : i32
        %lt3A_224 = arith.cmpi slt, %add3A_223, %max3A_71 : i32
        %convert_element_type3A_225 = arith.extui %lt3A_224 : i1 to i32
        %cond3A_226 = arith.constant 0 : i32
        %cond3A_227 = arith.cmpi ne, %convert_element_type3A_225, %cond3A_226 : i32
        scf.if %cond3A_227 {
          %add3A_332 = arith.constant 2 : i32
          %add3A_333 = arith.addi %while3A_131, %add3A_332 : i32
          %mul3A_334 = arith.constant 16 : i32
          %mul3A_335 = arith.muli %mul3A_334, %add3A_333 : i32
          %add3A_336 = arith.addi %add3A_72, %mul3A_335 : i32
          %mul3A_337 = arith.constant 80 : i32
          %mul3A_338 = arith.muli %add3A_336, %mul3A_337 : i32
          %dma_start3A_339 = arith.constant 0 : i32
          %dma_start3A_340 = tpu.memref_slice %arg3[%mul3A_338, %dma_start3A_339] : memref<320000x128xf32, #tpu.memory_space<hbm>> -> memref<80x128xf32, #tpu.memory_space<hbm>>
          %dma_start3A_341 = arith.constant 0 : i32
          %dma_start3A_342 = tpu.memref_slice %arg3[%mul3A_338, %dma_start3A_341] : memref<320000x128xf32, #tpu.memory_space<hbm>> -> memref<80x128xf32, #tpu.memory_space<hbm>>
          tpu.enqueue_dma source(%dma_start3A_342 : memref<80x128xf32, #tpu.memory_space<hbm>>) target(%arg9 : memref<80x128xf32, #tpu.memory_space<vmem>>) target_semaphore(%arg13 : memref<!tpu.dma_semaphore, #tpu.memory_space<semaphore_mem>>)
          %mul3A_343 = arith.constant 80 : i32
          %mul3A_344 = arith.muli %add3A_336, %mul3A_343 : i32
          %dma_start3A_345 = arith.constant 3 : i32
          %dma_start3A_346 = arith.constant 0 : i32
          %dma_start3A_347 = tpu.memref_slice %arg10[%dma_start3A_345, %dma_start3A_346] : memref<4x80xi32, #tpu.memory_space<vmem>> -> memref<1x80xi32, #tpu.memory_space<vmem>>
          %dma_start3A_348 = tpu.memref_squeeze %dma_start3A_347 : memref<1x80xi32, #tpu.memory_space<vmem>> -> memref<80xi32, #tpu.memory_space<vmem>>
          %dma_start3A_349 = tpu.memref_slice %arg4[%mul3A_344] : memref<320000xi32, #tpu.memory_space<hbm>> -> memref<80xi32, #tpu.memory_space<hbm>>
          %dma_start3A_350 = arith.constant 0 : i32
          %dma_start3A_351 = tpu.memref_slice %arg10[%dma_start3A_345, %dma_start3A_350] : memref<4x80xi32, #tpu.memory_space<vmem>> -> memref<1x80xi32, #tpu.memory_space<vmem>>
          %dma_start3A_352 = tpu.memref_squeeze %dma_start3A_351 : memref<1x80xi32, #tpu.memory_space<vmem>> -> memref<80xi32, #tpu.memory_space<vmem>>
          %dma_start3A_353 = tpu.memref_slice %arg4[%mul3A_344] : memref<320000xi32, #tpu.memory_space<hbm>> -> memref<80xi32, #tpu.memory_space<hbm>>
          tpu.enqueue_dma source(%dma_start3A_353 : memref<80xi32, #tpu.memory_space<hbm>>) target(%dma_start3A_352 : memref<80xi32, #tpu.memory_space<vmem>>) target_semaphore(%arg14 : memref<!tpu.dma_semaphore, #tpu.memory_space<semaphore_mem>>)
        } else {
        }
        %dma_wait3A = arith.constant 0 : i32
        %dma_wait3A_228 = arith.constant 0 : i32
        %dma_wait3A_229 = tpu.memref_slice %arg3[%dma_wait3A, %dma_wait3A_228] : memref<320000x128xf32, #tpu.memory_space<hbm>> -> memref<80x128xf32, #tpu.memory_space<hbm>>
        %dma_wait3A_230 = arith.constant 0 : i32
        %dma_wait3A_231 = arith.constant 0 : i32
        %dma_wait3A_232 = tpu.memref_slice %arg3[%dma_wait3A_230, %dma_wait3A_231] : memref<320000x128xf32, #tpu.memory_space<hbm>> -> memref<80x128xf32, #tpu.memory_space<hbm>>
        tpu.wait_dma2 semaphore(%arg13 : memref<!tpu.dma_semaphore, #tpu.memory_space<semaphore_mem>>) src(%dma_wait3A_232 : memref<80x128xf32, #tpu.memory_space<hbm>>) dst(%arg7 : memref<80x128xf32, #tpu.memory_space<vmem>>)
        %dma_wait3A_233 = arith.constant 1 : i32
        %dma_wait3A_234 = arith.constant 0 : i32
        %dma_wait3A_235 = tpu.memref_slice %arg10[%dma_wait3A_233, %dma_wait3A_234] : memref<4x80xi32, #tpu.memory_space<vmem>> -> memref<1x80xi32, #tpu.memory_space<vmem>>
        %dma_wait3A_236 = tpu.memref_squeeze %dma_wait3A_235 : memref<1x80xi32, #tpu.memory_space<vmem>> -> memref<80xi32, #tpu.memory_space<vmem>>
        %dma_wait3A_237 = arith.constant 0 : i32
        %dma_wait3A_238 = tpu.memref_slice %arg4[%dma_wait3A_237] : memref<320000xi32, #tpu.memory_space<hbm>> -> memref<80xi32, #tpu.memory_space<hbm>>
        %dma_wait3A_239 = arith.constant 0 : i32
        %dma_wait3A_240 = tpu.memref_slice %arg10[%dma_wait3A_233, %dma_wait3A_239] : memref<4x80xi32, #tpu.memory_space<vmem>> -> memref<1x80xi32, #tpu.memory_space<vmem>>
        %dma_wait3A_241 = tpu.memref_squeeze %dma_wait3A_240 : memref<1x80xi32, #tpu.memory_space<vmem>> -> memref<80xi32, #tpu.memory_space<vmem>>
        %dma_wait3A_242 = arith.constant 0 : i32
        %dma_wait3A_243 = tpu.memref_slice %arg4[%dma_wait3A_242] : memref<320000xi32, #tpu.memory_space<hbm>> -> memref<80xi32, #tpu.memory_space<hbm>>
        tpu.wait_dma2 semaphore(%arg14 : memref<!tpu.dma_semaphore, #tpu.memory_space<semaphore_mem>>) src(%dma_wait3A_243 : memref<80xi32, #tpu.memory_space<hbm>>) dst(%dma_wait3A_241 : memref<80xi32, #tpu.memory_space<vmem>>)
        %get3A = arith.constant 1 : i32
        %get3A_244 = arith.index_cast %get3A : i32 to index
        %get3A_245 = arith.constant 0 : index
        %get3A_246 = tpu.vector_load %arg10[%get3A_244, %get3A_245] {strides = array<i32>} : memref<4x80xi32, #tpu.memory_space<vmem>>, vector<1x16xi32>,
        %get3A_247 = vector.shape_cast %get3A_246 : vector<1x16xi32> to vector<16xi32>
        %sub3A_248 = vector.broadcast %mul3A_98 : i32 to vector<16xi32>
        %sub3A_249 = arith.subi %get3A_247, %sub3A_248 : vector<16xi32>
        %lt3A_250 = arith.cmpi slt, %sub3A_249, %broadcast_in_dim3A_83 : vector<16xi32>
        %ge3A_251 = arith.cmpi sge, %sub3A_249, %broadcast_in_dim3A_85 : vector<16xi32>
        %or3A = arith.ori %lt3A_250, %ge3A_251 : vector<16xi1>
        %select_n3A_252 = arith.select %or3A, %broadcast_in_dim3A_87, %sub3A_249 : vector<16xi1>, vector<16xi32>
        %swap3A = arith.constant 1 : i32
        %swap3A_253 = arith.index_cast %swap3A : i32 to index
        %swap3A_254 = arith.constant 0 : index
        %swap3A_255 = tpu.vector_load %arg10[%swap3A_253, %swap3A_254] {strides = array<i32>} : memref<4x80xi32, #tpu.memory_space<vmem>>, vector<1x16xi32>,
        %swap3A_256 = vector.shape_cast %swap3A_255 : vector<1x16xi32> to vector<16xi32>
        %swap3A_257 = vector.shape_cast %select_n3A_252 : vector<16xi32> to vector<1x16xi32>
        tpu.vector_store %arg10[%swap3A_253, %swap3A_254], %swap3A_257 {strides = array<i32>} : memref<4x80xi32, #tpu.memory_space<vmem>>, vector<1x16xi32>,
        %get3A_258 = arith.constant 1 : i32
        %get3A_259 = arith.index_cast %get3A_258 : i32 to index
        %get3A_260 = arith.constant 16 : index
        %get3A_261 = tpu.vector_load %arg10[%get3A_259, %get3A_260] {strides = array<i32>} : memref<4x80xi32, #tpu.memory_space<vmem>>, vector<1x16xi32>,
        %get3A_262 = vector.shape_cast %get3A_261 : vector<1x16xi32> to vector<16xi32>
        %sub3A_263 = vector.broadcast %mul3A_98 : i32 to vector<16xi32>
        %sub3A_264 = arith.subi %get3A_262, %sub3A_263 : vector<16xi32>
        %lt3A_265 = arith.cmpi slt, %sub3A_264, %broadcast_in_dim3A_83 : vector<16xi32>
        %ge3A_266 = arith.cmpi sge, %sub3A_264, %broadcast_in_dim3A_85 : vector<16xi32>
        %or3A_267 = arith.ori %lt3A_265, %ge3A_266 : vector<16xi1>
        %select_n3A_268 = arith.select %or3A_267, %broadcast_in_dim3A_87, %sub3A_264 : vector<16xi1>, vector<16xi32>
        %swap3A_269 = arith.constant 1 : i32
        %swap3A_270 = arith.index_cast %swap3A_269 : i32 to index
        %swap3A_271 = arith.constant 16 : index
        %swap3A_272 = tpu.vector_load %arg10[%swap3A_270, %swap3A_271] {strides = array<i32>} : memref<4x80xi32, #tpu.memory_space<vmem>>, vector<1x16xi32>,
        %swap3A_273 = vector.shape_cast %swap3A_272 : vector<1x16xi32> to vector<16xi32>
        %swap3A_274 = vector.shape_cast %select_n3A_268 : vector<16xi32> to vector<1x16xi32>
        tpu.vector_store %arg10[%swap3A_270, %swap3A_271], %swap3A_274 {strides = array<i32>} : memref<4x80xi32, #tpu.memory_space<vmem>>, vector<1x16xi32>,
        %get3A_275 = arith.constant 1 : i32
        %get3A_276 = arith.index_cast %get3A_275 : i32 to index
        %get3A_277 = arith.constant 32 : index
        %get3A_278 = tpu.vector_load %arg10[%get3A_276, %get3A_277] {strides = array<i32>} : memref<4x80xi32, #tpu.memory_space<vmem>>, vector<1x16xi32>,
        %get3A_279 = vector.shape_cast %get3A_278 : vector<1x16xi32> to vector<16xi32>
        %sub3A_280 = vector.broadcast %mul3A_98 : i32 to vector<16xi32>
        %sub3A_281 = arith.subi %get3A_279, %sub3A_280 : vector<16xi32>
        %lt3A_282 = arith.cmpi slt, %sub3A_281, %broadcast_in_dim3A_83 : vector<16xi32>
        %ge3A_283 = arith.cmpi sge, %sub3A_281, %broadcast_in_dim3A_85 : vector<16xi32>
        %or3A_284 = arith.ori %lt3A_282, %ge3A_283 : vector<16xi1>
        %select_n3A_285 = arith.select %or3A_284, %broadcast_in_dim3A_87, %sub3A_281 : vector<16xi1>, vector<16xi32>
        %swap3A_286 = arith.constant 1 : i32
        %swap3A_287 = arith.index_cast %swap3A_286 : i32 to index
        %swap3A_288 = arith.constant 32 : index
        %swap3A_289 = tpu.vector_load %arg10[%swap3A_287, %swap3A_288] {strides = array<i32>} : memref<4x80xi32, #tpu.memory_space<vmem>>, vector<1x16xi32>,
        %swap3A_290 = vector.shape_cast %swap3A_289 : vector<1x16xi32> to vector<16xi32>
        %swap3A_291 = vector.shape_cast %select_n3A_285 : vector<16xi32> to vector<1x16xi32>
        tpu.vector_store %arg10[%swap3A_287, %swap3A_288], %swap3A_291 {strides = array<i32>} : memref<4x80xi32, #tpu.memory_space<vmem>>, vector<1x16xi32>,
        %get3A_292 = arith.constant 1 : i32
        %get3A_293 = arith.index_cast %get3A_292 : i32 to index
        %get3A_294 = arith.constant 48 : index
        %get3A_295 = tpu.vector_load %arg10[%get3A_293, %get3A_294] {strides = array<i32>} : memref<4x80xi32, #tpu.memory_space<vmem>>, vector<1x16xi32>,
        %get3A_296 = vector.shape_cast %get3A_295 : vector<1x16xi32> to vector<16xi32>
        %sub3A_297 = vector.broadcast %mul3A_98 : i32 to vector<16xi32>
        %sub3A_298 = arith.subi %get3A_296, %sub3A_297 : vector<16xi32>
        %lt3A_299 = arith.cmpi slt, %sub3A_298, %broadcast_in_dim3A_83 : vector<16xi32>
        %ge3A_300 = arith.cmpi sge, %sub3A_298, %broadcast_in_dim3A_85 : vector<16xi32>
        %or3A_301 = arith.ori %lt3A_299, %ge3A_300 : vector<16xi1>
        %select_n3A_302 = arith.select %or3A_301, %broadcast_in_dim3A_87, %sub3A_298 : vector<16xi1>, vector<16xi32>
        %swap3A_303 = arith.constant 1 : i32
        %swap3A_304 = arith.index_cast %swap3A_303 : i32 to index
        %swap3A_305 = arith.constant 48 : index
        %swap3A_306 = tpu.vector_load %arg10[%swap3A_304, %swap3A_305] {strides = array<i32>} : memref<4x80xi32, #tpu.memory_space<vmem>>, vector<1x16xi32>,
        %swap3A_307 = vector.shape_cast %swap3A_306 : vector<1x16xi32> to vector<16xi32>
        %swap3A_308 = vector.shape_cast %select_n3A_302 : vector<16xi32> to vector<1x16xi32>
        tpu.vector_store %arg10[%swap3A_304, %swap3A_305], %swap3A_308 {strides = array<i32>} : memref<4x80xi32, #tpu.memory_space<vmem>>, vector<1x16xi32>,
        %get3A_309 = arith.constant 1 : i32
        %get3A_310 = arith.index_cast %get3A_309 : i32 to index
        %get3A_311 = arith.constant 64 : index
        %get3A_312 = tpu.vector_load %arg10[%get3A_310, %get3A_311] {strides = array<i32>} : memref<4x80xi32, #tpu.memory_space<vmem>>, vector<1x16xi32>,
        %get3A_313 = vector.shape_cast %get3A_312 : vector<1x16xi32> to vector<16xi32>
        %sub3A_314 = vector.broadcast %mul3A_98 : i32 to vector<16xi32>
        %sub3A_315 = arith.subi %get3A_313, %sub3A_314 : vector<16xi32>
        %lt3A_316 = arith.cmpi slt, %sub3A_315, %broadcast_in_dim3A_83 : vector<16xi32>
        %ge3A_317 = arith.cmpi sge, %sub3A_315, %broadcast_in_dim3A_85 : vector<16xi32>
        %or3A_318 = arith.ori %lt3A_316, %ge3A_317 : vector<16xi1>
        %select_n3A_319 = arith.select %or3A_318, %broadcast_in_dim3A_87, %sub3A_315 : vector<16xi1>, vector<16xi32>
        %swap3A_320 = arith.constant 1 : i32
        %swap3A_321 = arith.index_cast %swap3A_320 : i32 to index
        %swap3A_322 = arith.constant 64 : index
        %swap3A_323 = tpu.vector_load %arg10[%swap3A_321, %swap3A_322] {strides = array<i32>} : memref<4x80xi32, #tpu.memory_space<vmem>>, vector<1x16xi32>,
        %swap3A_324 = vector.shape_cast %swap3A_323 : vector<1x16xi32> to vector<16xi32>
        %swap3A_325 = vector.shape_cast %select_n3A_319 : vector<16xi32> to vector<1x16xi32>
        tpu.vector_store %arg10[%swap3A_321, %swap3A_322], %swap3A_325 {strides = array<i32>} : memref<4x80xi32, #tpu.memory_space<vmem>>, vector<1x16xi32>,
        %dma_start3A = arith.constant 1 : i32
        %dma_start3A_326 = arith.constant 0 : i32
        %dma_start3A_327 = tpu.memref_slice %arg10[%dma_start3A, %dma_start3A_326] : memref<4x80xi32, #tpu.memory_space<vmem>> -> memref<1x80xi32, #tpu.memory_space<vmem>>
        %dma_start3A_328 = tpu.memref_squeeze %dma_start3A_327 : memref<1x80xi32, #tpu.memory_space<vmem>> -> memref<80xi32, #tpu.memory_space<vmem>>
        %dma_start3A_329 = arith.constant 0 : i32
        %dma_start3A_330 = arith.constant 0 : i32
        %dma_start3A_331 = tpu.memref_slice %arg12[%dma_start3A_329, %dma_start3A_330] : memref<5008x128xf32, #tpu.memory_space<vmem_shared>> -> memref<5008x128xf32, #tpu.memory_space<vmem_shared>>
        tpu.enqueue_indirect_dma source(%arg7 : memref<80x128xf32, #tpu.memory_space<vmem>>) target(%dma_start3A_331 : memref<5008x128xf32, #tpu.memory_space<vmem_shared>>) offsets(%dma_start3A_328 : memref<80xi32, #tpu.memory_space<vmem>>) semaphore(%arg16 : memref<!tpu.dma_semaphore, #tpu.memory_space<semaphore_mem>>) {add = true}
      } else {
      }
      %jit3A_179 = arith.constant 4 : i32
      %eq3A_180 = arith.constant 0 : i32
      %eq3A_181 = arith.cmpi eq, %jit3A_179, %eq3A_180 : i32
      %jit3A_182 = arith.constant 1 : i32
      %select_n3A_183 = arith.select %eq3A_181, %jit3A_182, %jit3A_179 : i32
      %rem3A_184 = arith.remsi %while3A_131, %select_n3A_183 : i32
      %ne3A_185 = arith.constant 0 : i32
      %ne3A_186 = arith.cmpi ne, %rem3A_184, %ne3A_185 : i32
      %lt3A_187 = arith.constant 0 : i32
      %lt3A_188 = arith.cmpi slt, %rem3A_184, %lt3A_187 : i32
      %lt3A_189 = arith.constant 0 : i32
      %lt3A_190 = arith.cmpi slt, %select_n3A_183, %lt3A_189 : i32
      %ne3A_191 = arith.xori %lt3A_188, %lt3A_190 : i1
      %and3A_192 = arith.andi %ne3A_191, %ne3A_186 : i1
      %add3A_193 = arith.addi %rem3A_184, %select_n3A_183 : i32
      %select_n3A_194 = arith.select %and3A_192, %add3A_193, %rem3A_184 : i32
      %eq3A_195 = arith.constant 2 : i32
      %eq3A_196 = arith.cmpi eq, %select_n3A_194, %eq3A_195 : i32
      %convert_element_type3A_197 = arith.extui %eq3A_196 : i1 to i32
      %cond3A_198 = arith.constant 0 : i32
      %cond3A_199 = arith.cmpi ne, %convert_element_type3A_197, %cond3A_198 : i32
      scf.if %cond3A_199 {
        %add3A_222 = arith.constant 2 : i32
        %add3A_223 = arith.addi %while3A_131, %add3A_222 : i32
        %lt3A_224 = arith.cmpi slt, %add3A_223, %max3A_71 : i32
        %convert_element_type3A_225 = arith.extui %lt3A_224 : i1 to i32
        %cond3A_226 = arith.constant 0 : i32
        %cond3A_227 = arith.cmpi ne, %convert_element_type3A_225, %cond3A_226 : i32
        scf.if %cond3A_227 {
          %add3A_332 = arith.constant 2 : i32
          %add3A_333 = arith.addi %while3A_131, %add3A_332 : i32
          %mul3A_334 = arith.constant 16 : i32
          %mul3A_335 = arith.muli %mul3A_334, %add3A_333 : i32
          %add3A_336 = arith.addi %add3A_72, %mul3A_335 : i32
          %mul3A_337 = arith.constant 80 : i32
          %mul3A_338 = arith.muli %add3A_336, %mul3A_337 : i32
          %dma_start3A_339 = arith.constant 0 : i32
          %dma_start3A_340 = tpu.memref_slice %arg3[%mul3A_338, %dma_start3A_339] : memref<320000x128xf32, #tpu.memory_space<hbm>> -> memref<80x128xf32, #tpu.memory_space<hbm>>
          %dma_start3A_341 = arith.constant 0 : i32
          %dma_start3A_342 = tpu.memref_slice %arg3[%mul3A_338, %dma_start3A_341] : memref<320000x128xf32, #tpu.memory_space<hbm>> -> memref<80x128xf32, #tpu.memory_space<hbm>>
          tpu.enqueue_dma source(%dma_start3A_342 : memref<80x128xf32, #tpu.memory_space<hbm>>) target(%arg6 : memref<80x128xf32, #tpu.memory_space<vmem>>) target_semaphore(%arg13 : memref<!tpu.dma_semaphore, #tpu.memory_space<semaphore_mem>>)
          %mul3A_343 = arith.constant 80 : i32
          %mul3A_344 = arith.muli %add3A_336, %mul3A_343 : i32
          %dma_start3A_345 = arith.constant 0 : i32
          %dma_start3A_346 = arith.constant 0 : i32
          %dma_start3A_347 = tpu.memref_slice %arg10[%dma_start3A_345, %dma_start3A_346] : memref<4x80xi32, #tpu.memory_space<vmem>> -> memref<1x80xi32, #tpu.memory_space<vmem>>
          %dma_start3A_348 = tpu.memref_squeeze %dma_start3A_347 : memref<1x80xi32, #tpu.memory_space<vmem>> -> memref<80xi32, #tpu.memory_space<vmem>>
          %dma_start3A_349 = tpu.memref_slice %arg4[%mul3A_344] : memref<320000xi32, #tpu.memory_space<hbm>> -> memref<80xi32, #tpu.memory_space<hbm>>
          %dma_start3A_350 = arith.constant 0 : i32
          %dma_start3A_351 = tpu.memref_slice %arg10[%dma_start3A_345, %dma_start3A_350] : memref<4x80xi32, #tpu.memory_space<vmem>> -> memref<1x80xi32, #tpu.memory_space<vmem>>
          %dma_start3A_352 = tpu.memref_squeeze %dma_start3A_351 : memref<1x80xi32, #tpu.memory_space<vmem>> -> memref<80xi32, #tpu.memory_space<vmem>>
          %dma_start3A_353 = tpu.memref_slice %arg4[%mul3A_344] : memref<320000xi32, #tpu.memory_space<hbm>> -> memref<80xi32, #tpu.memory_space<hbm>>
          tpu.enqueue_dma source(%dma_start3A_353 : memref<80xi32, #tpu.memory_space<hbm>>) target(%dma_start3A_352 : memref<80xi32, #tpu.memory_space<vmem>>) target_semaphore(%arg14 : memref<!tpu.dma_semaphore, #tpu.memory_space<semaphore_mem>>)
        } else {
        }
        %dma_wait3A = arith.constant 0 : i32
        %dma_wait3A_228 = arith.constant 0 : i32
        %dma_wait3A_229 = tpu.memref_slice %arg3[%dma_wait3A, %dma_wait3A_228] : memref<320000x128xf32, #tpu.memory_space<hbm>> -> memref<80x128xf32, #tpu.memory_space<hbm>>
        %dma_wait3A_230 = arith.constant 0 : i32
        %dma_wait3A_231 = arith.constant 0 : i32
        %dma_wait3A_232 = tpu.memref_slice %arg3[%dma_wait3A_230, %dma_wait3A_231] : memref<320000x128xf32, #tpu.memory_space<hbm>> -> memref<80x128xf32, #tpu.memory_space<hbm>>
        tpu.wait_dma2 semaphore(%arg13 : memref<!tpu.dma_semaphore, #tpu.memory_space<semaphore_mem>>) src(%dma_wait3A_232 : memref<80x128xf32, #tpu.memory_space<hbm>>) dst(%arg8 : memref<80x128xf32, #tpu.memory_space<vmem>>)
        %dma_wait3A_233 = arith.constant 2 : i32
        %dma_wait3A_234 = arith.constant 0 : i32
        %dma_wait3A_235 = tpu.memref_slice %arg10[%dma_wait3A_233, %dma_wait3A_234] : memref<4x80xi32, #tpu.memory_space<vmem>> -> memref<1x80xi32, #tpu.memory_space<vmem>>
        %dma_wait3A_236 = tpu.memref_squeeze %dma_wait3A_235 : memref<1x80xi32, #tpu.memory_space<vmem>> -> memref<80xi32, #tpu.memory_space<vmem>>
        %dma_wait3A_237 = arith.constant 0 : i32
        %dma_wait3A_238 = tpu.memref_slice %arg4[%dma_wait3A_237] : memref<320000xi32, #tpu.memory_space<hbm>> -> memref<80xi32, #tpu.memory_space<hbm>>
        %dma_wait3A_239 = arith.constant 0 : i32
        %dma_wait3A_240 = tpu.memref_slice %arg10[%dma_wait3A_233, %dma_wait3A_239] : memref<4x80xi32, #tpu.memory_space<vmem>> -> memref<1x80xi32, #tpu.memory_space<vmem>>
        %dma_wait3A_241 = tpu.memref_squeeze %dma_wait3A_240 : memref<1x80xi32, #tpu.memory_space<vmem>> -> memref<80xi32, #tpu.memory_space<vmem>>
        %dma_wait3A_242 = arith.constant 0 : i32
        %dma_wait3A_243 = tpu.memref_slice %arg4[%dma_wait3A_242] : memref<320000xi32, #tpu.memory_space<hbm>> -> memref<80xi32, #tpu.memory_space<hbm>>
        tpu.wait_dma2 semaphore(%arg14 : memref<!tpu.dma_semaphore, #tpu.memory_space<semaphore_mem>>) src(%dma_wait3A_243 : memref<80xi32, #tpu.memory_space<hbm>>) dst(%dma_wait3A_241 : memref<80xi32, #tpu.memory_space<vmem>>)
        %get3A = arith.constant 2 : i32
        %get3A_244 = arith.index_cast %get3A : i32 to index
        %get3A_245 = arith.constant 0 : index
        %get3A_246 = tpu.vector_load %arg10[%get3A_244, %get3A_245] {strides = array<i32>} : memref<4x80xi32, #tpu.memory_space<vmem>>, vector<1x16xi32>,
        %get3A_247 = vector.shape_cast %get3A_246 : vector<1x16xi32> to vector<16xi32>
        %sub3A_248 = vector.broadcast %mul3A_98 : i32 to vector<16xi32>
        %sub3A_249 = arith.subi %get3A_247, %sub3A_248 : vector<16xi32>
        %lt3A_250 = arith.cmpi slt, %sub3A_249, %broadcast_in_dim3A_83 : vector<16xi32>
        %ge3A_251 = arith.cmpi sge, %sub3A_249, %broadcast_in_dim3A_85 : vector<16xi32>
        %or3A = arith.ori %lt3A_250, %ge3A_251 : vector<16xi1>
        %select_n3A_252 = arith.select %or3A, %broadcast_in_dim3A_87, %sub3A_249 : vector<16xi1>, vector<16xi32>
        %swap3A = arith.constant 2 : i32
        %swap3A_253 = arith.index_cast %swap3A : i32 to index
        %swap3A_254 = arith.constant 0 : index
        %swap3A_255 = tpu.vector_load %arg10[%swap3A_253, %swap3A_254] {strides = array<i32>} : memref<4x80xi32, #tpu.memory_space<vmem>>, vector<1x16xi32>,
        %swap3A_256 = vector.shape_cast %swap3A_255 : vector<1x16xi32> to vector<16xi32>
        %swap3A_257 = vector.shape_cast %select_n3A_252 : vector<16xi32> to vector<1x16xi32>
        tpu.vector_store %arg10[%swap3A_253, %swap3A_254], %swap3A_257 {strides = array<i32>} : memref<4x80xi32, #tpu.memory_space<vmem>>, vector<1x16xi32>,
        %get3A_258 = arith.constant 2 : i32
        %get3A_259 = arith.index_cast %get3A_258 : i32 to index
        %get3A_260 = arith.constant 16 : index
        %get3A_261 = tpu.vector_load %arg10[%get3A_259, %get3A_260] {strides = array<i32>} : memref<4x80xi32, #tpu.memory_space<vmem>>, vector<1x16xi32>,
        %get3A_262 = vector.shape_cast %get3A_261 : vector<1x16xi32> to vector<16xi32>
        %sub3A_263 = vector.broadcast %mul3A_98 : i32 to vector<16xi32>
        %sub3A_264 = arith.subi %get3A_262, %sub3A_263 : vector<16xi32>
        %lt3A_265 = arith.cmpi slt, %sub3A_264, %broadcast_in_dim3A_83 : vector<16xi32>
        %ge3A_266 = arith.cmpi sge, %sub3A_264, %broadcast_in_dim3A_85 : vector<16xi32>
        %or3A_267 = arith.ori %lt3A_265, %ge3A_266 : vector<16xi1>
        %select_n3A_268 = arith.select %or3A_267, %broadcast_in_dim3A_87, %sub3A_264 : vector<16xi1>, vector<16xi32>
        %swap3A_269 = arith.constant 2 : i32
        %swap3A_270 = arith.index_cast %swap3A_269 : i32 to index
        %swap3A_271 = arith.constant 16 : index
        %swap3A_272 = tpu.vector_load %arg10[%swap3A_270, %swap3A_271] {strides = array<i32>} : memref<4x80xi32, #tpu.memory_space<vmem>>, vector<1x16xi32>,
        %swap3A_273 = vector.shape_cast %swap3A_272 : vector<1x16xi32> to vector<16xi32>
        %swap3A_274 = vector.shape_cast %select_n3A_268 : vector<16xi32> to vector<1x16xi32>
        tpu.vector_store %arg10[%swap3A_270, %swap3A_271], %swap3A_274 {strides = array<i32>} : memref<4x80xi32, #tpu.memory_space<vmem>>, vector<1x16xi32>,
        %get3A_275 = arith.constant 2 : i32
        %get3A_276 = arith.index_cast %get3A_275 : i32 to index
        %get3A_277 = arith.constant 32 : index
        %get3A_278 = tpu.vector_load %arg10[%get3A_276, %get3A_277] {strides = array<i32>} : memref<4x80xi32, #tpu.memory_space<vmem>>, vector<1x16xi32>,
        %get3A_279 = vector.shape_cast %get3A_278 : vector<1x16xi32> to vector<16xi32>
        %sub3A_280 = vector.broadcast %mul3A_98 : i32 to vector<16xi32>
        %sub3A_281 = arith.subi %get3A_279, %sub3A_280 : vector<16xi32>
        %lt3A_282 = arith.cmpi slt, %sub3A_281, %broadcast_in_dim3A_83 : vector<16xi32>
        %ge3A_283 = arith.cmpi sge, %sub3A_281, %broadcast_in_dim3A_85 : vector<16xi32>
        %or3A_284 = arith.ori %lt3A_282, %ge3A_283 : vector<16xi1>
        %select_n3A_285 = arith.select %or3A_284, %broadcast_in_dim3A_87, %sub3A_281 : vector<16xi1>, vector<16xi32>
        %swap3A_286 = arith.constant 2 : i32
        %swap3A_287 = arith.index_cast %swap3A_286 : i32 to index
        %swap3A_288 = arith.constant 32 : index
        %swap3A_289 = tpu.vector_load %arg10[%swap3A_287, %swap3A_288] {strides = array<i32>} : memref<4x80xi32, #tpu.memory_space<vmem>>, vector<1x16xi32>,
        %swap3A_290 = vector.shape_cast %swap3A_289 : vector<1x16xi32> to vector<16xi32>
        %swap3A_291 = vector.shape_cast %select_n3A_285 : vector<16xi32> to vector<1x16xi32>
        tpu.vector_store %arg10[%swap3A_287, %swap3A_288], %swap3A_291 {strides = array<i32>} : memref<4x80xi32, #tpu.memory_space<vmem>>, vector<1x16xi32>,
        %get3A_292 = arith.constant 2 : i32
        %get3A_293 = arith.index_cast %get3A_292 : i32 to index
        %get3A_294 = arith.constant 48 : index
        %get3A_295 = tpu.vector_load %arg10[%get3A_293, %get3A_294] {strides = array<i32>} : memref<4x80xi32, #tpu.memory_space<vmem>>, vector<1x16xi32>,
        %get3A_296 = vector.shape_cast %get3A_295 : vector<1x16xi32> to vector<16xi32>
        %sub3A_297 = vector.broadcast %mul3A_98 : i32 to vector<16xi32>
        %sub3A_298 = arith.subi %get3A_296, %sub3A_297 : vector<16xi32>
        %lt3A_299 = arith.cmpi slt, %sub3A_298, %broadcast_in_dim3A_83 : vector<16xi32>
        %ge3A_300 = arith.cmpi sge, %sub3A_298, %broadcast_in_dim3A_85 : vector<16xi32>
        %or3A_301 = arith.ori %lt3A_299, %ge3A_300 : vector<16xi1>
        %select_n3A_302 = arith.select %or3A_301, %broadcast_in_dim3A_87, %sub3A_298 : vector<16xi1>, vector<16xi32>
        %swap3A_303 = arith.constant 2 : i32
        %swap3A_304 = arith.index_cast %swap3A_303 : i32 to index
        %swap3A_305 = arith.constant 48 : index
        %swap3A_306 = tpu.vector_load %arg10[%swap3A_304, %swap3A_305] {strides = array<i32>} : memref<4x80xi32, #tpu.memory_space<vmem>>, vector<1x16xi32>,
        %swap3A_307 = vector.shape_cast %swap3A_306 : vector<1x16xi32> to vector<16xi32>
        %swap3A_308 = vector.shape_cast %select_n3A_302 : vector<16xi32> to vector<1x16xi32>
        tpu.vector_store %arg10[%swap3A_304, %swap3A_305], %swap3A_308 {strides = array<i32>} : memref<4x80xi32, #tpu.memory_space<vmem>>, vector<1x16xi32>,
        %get3A_309 = arith.constant 2 : i32
        %get3A_310 = arith.index_cast %get3A_309 : i32 to index
        %get3A_311 = arith.constant 64 : index
        %get3A_312 = tpu.vector_load %arg10[%get3A_310, %get3A_311] {strides = array<i32>} : memref<4x80xi32, #tpu.memory_space<vmem>>, vector<1x16xi32>,
        %get3A_313 = vector.shape_cast %get3A_312 : vector<1x16xi32> to vector<16xi32>
        %sub3A_314 = vector.broadcast %mul3A_98 : i32 to vector<16xi32>
        %sub3A_315 = arith.subi %get3A_313, %sub3A_314 : vector<16xi32>
        %lt3A_316 = arith.cmpi slt, %sub3A_315, %broadcast_in_dim3A_83 : vector<16xi32>
        %ge3A_317 = arith.cmpi sge, %sub3A_315, %broadcast_in_dim3A_85 : vector<16xi32>
        %or3A_318 = arith.ori %lt3A_316, %ge3A_317 : vector<16xi1>
        %select_n3A_319 = arith.select %or3A_318, %broadcast_in_dim3A_87, %sub3A_315 : vector<16xi1>, vector<16xi32>
        %swap3A_320 = arith.constant 2 : i32
        %swap3A_321 = arith.index_cast %swap3A_320 : i32 to index
        %swap3A_322 = arith.constant 64 : index
        %swap3A_323 = tpu.vector_load %arg10[%swap3A_321, %swap3A_322] {strides = array<i32>} : memref<4x80xi32, #tpu.memory_space<vmem>>, vector<1x16xi32>,
        %swap3A_324 = vector.shape_cast %swap3A_323 : vector<1x16xi32> to vector<16xi32>
        %swap3A_325 = vector.shape_cast %select_n3A_319 : vector<16xi32> to vector<1x16xi32>
        tpu.vector_store %arg10[%swap3A_321, %swap3A_322], %swap3A_325 {strides = array<i32>} : memref<4x80xi32, #tpu.memory_space<vmem>>, vector<1x16xi32>,
        %dma_start3A = arith.constant 2 : i32
        %dma_start3A_326 = arith.constant 0 : i32
        %dma_start3A_327 = tpu.memref_slice %arg10[%dma_start3A, %dma_start3A_326] : memref<4x80xi32, #tpu.memory_space<vmem>> -> memref<1x80xi32, #tpu.memory_space<vmem>>
        %dma_start3A_328 = tpu.memref_squeeze %dma_start3A_327 : memref<1x80xi32, #tpu.memory_space<vmem>> -> memref<80xi32, #tpu.memory_space<vmem>>
        %dma_start3A_329 = arith.constant 0 : i32
        %dma_start3A_330 = arith.constant 0 : i32
        %dma_start3A_331 = tpu.memref_slice %arg12[%dma_start3A_329, %dma_start3A_330] : memref<5008x128xf32, #tpu.memory_space<vmem_shared>> -> memref<5008x128xf32, #tpu.memory_space<vmem_shared>>
        tpu.enqueue_indirect_dma source(%arg8 : memref<80x128xf32, #tpu.memory_space<vmem>>) target(%dma_start3A_331 : memref<5008x128xf32, #tpu.memory_space<vmem_shared>>) offsets(%dma_start3A_328 : memref<80xi32, #tpu.memory_space<vmem>>) semaphore(%arg16 : memref<!tpu.dma_semaphore, #tpu.memory_space<semaphore_mem>>) {add = true}
      } else {
      }
      %jit3A_200 = arith.constant 4 : i32
      %eq3A_201 = arith.constant 0 : i32
      %eq3A_202 = arith.cmpi eq, %jit3A_200, %eq3A_201 : i32
      %jit3A_203 = arith.constant 1 : i32
      %select_n3A_204 = arith.select %eq3A_202, %jit3A_203, %jit3A_200 : i32
      %rem3A_205 = arith.remsi %while3A_131, %select_n3A_204 : i32
      %ne3A_206 = arith.constant 0 : i32
      %ne3A_207 = arith.cmpi ne, %rem3A_205, %ne3A_206 : i32
      %lt3A_208 = arith.constant 0 : i32
      %lt3A_209 = arith.cmpi slt, %rem3A_205, %lt3A_208 : i32
      %lt3A_210 = arith.constant 0 : i32
      %lt3A_211 = arith.cmpi slt, %select_n3A_204, %lt3A_210 : i32
      %ne3A_212 = arith.xori %lt3A_209, %lt3A_211 : i1
      %and3A_213 = arith.andi %ne3A_212, %ne3A_207 : i1
      %add3A_214 = arith.addi %rem3A_205, %select_n3A_204 : i32
      %select_n3A_215 = arith.select %and3A_213, %add3A_214, %rem3A_205 : i32
      %eq3A_216 = arith.constant 3 : i32
      %eq3A_217 = arith.cmpi eq, %select_n3A_215, %eq3A_216 : i32
      %convert_element_type3A_218 = arith.extui %eq3A_217 : i1 to i32
      %cond3A_219 = arith.constant 0 : i32
      %cond3A_220 = arith.cmpi ne, %convert_element_type3A_218, %cond3A_219 : i32
      scf.if %cond3A_220 {
        %add3A_222 = arith.constant 2 : i32
        %add3A_223 = arith.addi %while3A_131, %add3A_222 : i32
        %lt3A_224 = arith.cmpi slt, %add3A_223, %max3A_71 : i32
        %convert_element_type3A_225 = arith.extui %lt3A_224 : i1 to i32
        %cond3A_226 = arith.constant 0 : i32
        %cond3A_227 = arith.cmpi ne, %convert_element_type3A_225, %cond3A_226 : i32
        scf.if %cond3A_227 {
          %add3A_332 = arith.constant 2 : i32
          %add3A_333 = arith.addi %while3A_131, %add3A_332 : i32
          %mul3A_334 = arith.constant 16 : i32
          %mul3A_335 = arith.muli %mul3A_334, %add3A_333 : i32
          %add3A_336 = arith.addi %add3A_72, %mul3A_335 : i32
          %mul3A_337 = arith.constant 80 : i32
          %mul3A_338 = arith.muli %add3A_336, %mul3A_337 : i32
          %dma_start3A_339 = arith.constant 0 : i32
          %dma_start3A_340 = tpu.memref_slice %arg3[%mul3A_338, %dma_start3A_339] : memref<320000x128xf32, #tpu.memory_space<hbm>> -> memref<80x128xf32, #tpu.memory_space<hbm>>
          %dma_start3A_341 = arith.constant 0 : i32
          %dma_start3A_342 = tpu.memref_slice %arg3[%mul3A_338, %dma_start3A_341] : memref<320000x128xf32, #tpu.memory_space<hbm>> -> memref<80x128xf32, #tpu.memory_space<hbm>>
          tpu.enqueue_dma source(%dma_start3A_342 : memref<80x128xf32, #tpu.memory_space<hbm>>) target(%arg7 : memref<80x128xf32, #tpu.memory_space<vmem>>) target_semaphore(%arg13 : memref<!tpu.dma_semaphore, #tpu.memory_space<semaphore_mem>>)
          %mul3A_343 = arith.constant 80 : i32
          %mul3A_344 = arith.muli %add3A_336, %mul3A_343 : i32
          %dma_start3A_345 = arith.constant 1 : i32
          %dma_start3A_346 = arith.constant 0 : i32
          %dma_start3A_347 = tpu.memref_slice %arg10[%dma_start3A_345, %dma_start3A_346] : memref<4x80xi32, #tpu.memory_space<vmem>> -> memref<1x80xi32, #tpu.memory_space<vmem>>
          %dma_start3A_348 = tpu.memref_squeeze %dma_start3A_347 : memref<1x80xi32, #tpu.memory_space<vmem>> -> memref<80xi32, #tpu.memory_space<vmem>>
          %dma_start3A_349 = tpu.memref_slice %arg4[%mul3A_344] : memref<320000xi32, #tpu.memory_space<hbm>> -> memref<80xi32, #tpu.memory_space<hbm>>
          %dma_start3A_350 = arith.constant 0 : i32
          %dma_start3A_351 = tpu.memref_slice %arg10[%dma_start3A_345, %dma_start3A_350] : memref<4x80xi32, #tpu.memory_space<vmem>> -> memref<1x80xi32, #tpu.memory_space<vmem>>
          %dma_start3A_352 = tpu.memref_squeeze %dma_start3A_351 : memref<1x80xi32, #tpu.memory_space<vmem>> -> memref<80xi32, #tpu.memory_space<vmem>>
          %dma_start3A_353 = tpu.memref_slice %arg4[%mul3A_344] : memref<320000xi32, #tpu.memory_space<hbm>> -> memref<80xi32, #tpu.memory_space<hbm>>
          tpu.enqueue_dma source(%dma_start3A_353 : memref<80xi32, #tpu.memory_space<hbm>>) target(%dma_start3A_352 : memref<80xi32, #tpu.memory_space<vmem>>) target_semaphore(%arg14 : memref<!tpu.dma_semaphore, #tpu.memory_space<semaphore_mem>>)
        } else {
        }
        %dma_wait3A = arith.constant 0 : i32
        %dma_wait3A_228 = arith.constant 0 : i32
        %dma_wait3A_229 = tpu.memref_slice %arg3[%dma_wait3A, %dma_wait3A_228] : memref<320000x128xf32, #tpu.memory_space<hbm>> -> memref<80x128xf32, #tpu.memory_space<hbm>>
        %dma_wait3A_230 = arith.constant 0 : i32
        %dma_wait3A_231 = arith.constant 0 : i32
        %dma_wait3A_232 = tpu.memref_slice %arg3[%dma_wait3A_230, %dma_wait3A_231] : memref<320000x128xf32, #tpu.memory_space<hbm>> -> memref<80x128xf32, #tpu.memory_space<hbm>>
        tpu.wait_dma2 semaphore(%arg13 : memref<!tpu.dma_semaphore, #tpu.memory_space<semaphore_mem>>) src(%dma_wait3A_232 : memref<80x128xf32, #tpu.memory_space<hbm>>) dst(%arg9 : memref<80x128xf32, #tpu.memory_space<vmem>>)
        %dma_wait3A_233 = arith.constant 3 : i32
        %dma_wait3A_234 = arith.constant 0 : i32
        %dma_wait3A_235 = tpu.memref_slice %arg10[%dma_wait3A_233, %dma_wait3A_234] : memref<4x80xi32, #tpu.memory_space<vmem>> -> memref<1x80xi32, #tpu.memory_space<vmem>>
        %dma_wait3A_236 = tpu.memref_squeeze %dma_wait3A_235 : memref<1x80xi32, #tpu.memory_space<vmem>> -> memref<80xi32, #tpu.memory_space<vmem>>
        %dma_wait3A_237 = arith.constant 0 : i32
        %dma_wait3A_238 = tpu.memref_slice %arg4[%dma_wait3A_237] : memref<320000xi32, #tpu.memory_space<hbm>> -> memref<80xi32, #tpu.memory_space<hbm>>
        %dma_wait3A_239 = arith.constant 0 : i32
        %dma_wait3A_240 = tpu.memref_slice %arg10[%dma_wait3A_233, %dma_wait3A_239] : memref<4x80xi32, #tpu.memory_space<vmem>> -> memref<1x80xi32, #tpu.memory_space<vmem>>
        %dma_wait3A_241 = tpu.memref_squeeze %dma_wait3A_240 : memref<1x80xi32, #tpu.memory_space<vmem>> -> memref<80xi32, #tpu.memory_space<vmem>>
        %dma_wait3A_242 = arith.constant 0 : i32
        %dma_wait3A_243 = tpu.memref_slice %arg4[%dma_wait3A_242] : memref<320000xi32, #tpu.memory_space<hbm>> -> memref<80xi32, #tpu.memory_space<hbm>>
        tpu.wait_dma2 semaphore(%arg14 : memref<!tpu.dma_semaphore, #tpu.memory_space<semaphore_mem>>) src(%dma_wait3A_243 : memref<80xi32, #tpu.memory_space<hbm>>) dst(%dma_wait3A_241 : memref<80xi32, #tpu.memory_space<vmem>>)
        %get3A = arith.constant 3 : i32
        %get3A_244 = arith.index_cast %get3A : i32 to index
        %get3A_245 = arith.constant 0 : index
        %get3A_246 = tpu.vector_load %arg10[%get3A_244, %get3A_245] {strides = array<i32>} : memref<4x80xi32, #tpu.memory_space<vmem>>, vector<1x16xi32>,
        %get3A_247 = vector.shape_cast %get3A_246 : vector<1x16xi32> to vector<16xi32>
        %sub3A_248 = vector.broadcast %mul3A_98 : i32 to vector<16xi32>
        %sub3A_249 = arith.subi %get3A_247, %sub3A_248 : vector<16xi32>
        %lt3A_250 = arith.cmpi slt, %sub3A_249, %broadcast_in_dim3A_83 : vector<16xi32>
        %ge3A_251 = arith.cmpi sge, %sub3A_249, %broadcast_in_dim3A_85 : vector<16xi32>
        %or3A = arith.ori %lt3A_250, %ge3A_251 : vector<16xi1>
        %select_n3A_252 = arith.select %or3A, %broadcast_in_dim3A_87, %sub3A_249 : vector<16xi1>, vector<16xi32>
        %swap3A = arith.constant 3 : i32
        %swap3A_253 = arith.index_cast %swap3A : i32 to index
        %swap3A_254 = arith.constant 0 : index
        %swap3A_255 = tpu.vector_load %arg10[%swap3A_253, %swap3A_254] {strides = array<i32>} : memref<4x80xi32, #tpu.memory_space<vmem>>, vector<1x16xi32>,
        %swap3A_256 = vector.shape_cast %swap3A_255 : vector<1x16xi32> to vector<16xi32>
        %swap3A_257 = vector.shape_cast %select_n3A_252 : vector<16xi32> to vector<1x16xi32>
        tpu.vector_store %arg10[%swap3A_253, %swap3A_254], %swap3A_257 {strides = array<i32>} : memref<4x80xi32, #tpu.memory_space<vmem>>, vector<1x16xi32>,
        %get3A_258 = arith.constant 3 : i32
        %get3A_259 = arith.index_cast %get3A_258 : i32 to index
        %get3A_260 = arith.constant 16 : index
        %get3A_261 = tpu.vector_load %arg10[%get3A_259, %get3A_260] {strides = array<i32>} : memref<4x80xi32, #tpu.memory_space<vmem>>, vector<1x16xi32>,
        %get3A_262 = vector.shape_cast %get3A_261 : vector<1x16xi32> to vector<16xi32>
        %sub3A_263 = vector.broadcast %mul3A_98 : i32 to vector<16xi32>
        %sub3A_264 = arith.subi %get3A_262, %sub3A_263 : vector<16xi32>
        %lt3A_265 = arith.cmpi slt, %sub3A_264, %broadcast_in_dim3A_83 : vector<16xi32>
        %ge3A_266 = arith.cmpi sge, %sub3A_264, %broadcast_in_dim3A_85 : vector<16xi32>
        %or3A_267 = arith.ori %lt3A_265, %ge3A_266 : vector<16xi1>
        %select_n3A_268 = arith.select %or3A_267, %broadcast_in_dim3A_87, %sub3A_264 : vector<16xi1>, vector<16xi32>
        %swap3A_269 = arith.constant 3 : i32
        %swap3A_270 = arith.index_cast %swap3A_269 : i32 to index
        %swap3A_271 = arith.constant 16 : index
        %swap3A_272 = tpu.vector_load %arg10[%swap3A_270, %swap3A_271] {strides = array<i32>} : memref<4x80xi32, #tpu.memory_space<vmem>>, vector<1x16xi32>,
        %swap3A_273 = vector.shape_cast %swap3A_272 : vector<1x16xi32> to vector<16xi32>
        %swap3A_274 = vector.shape_cast %select_n3A_268 : vector<16xi32> to vector<1x16xi32>
        tpu.vector_store %arg10[%swap3A_270, %swap3A_271], %swap3A_274 {strides = array<i32>} : memref<4x80xi32, #tpu.memory_space<vmem>>, vector<1x16xi32>,
        %get3A_275 = arith.constant 3 : i32
        %get3A_276 = arith.index_cast %get3A_275 : i32 to index
        %get3A_277 = arith.constant 32 : index
        %get3A_278 = tpu.vector_load %arg10[%get3A_276, %get3A_277] {strides = array<i32>} : memref<4x80xi32, #tpu.memory_space<vmem>>, vector<1x16xi32>,
        %get3A_279 = vector.shape_cast %get3A_278 : vector<1x16xi32> to vector<16xi32>
        %sub3A_280 = vector.broadcast %mul3A_98 : i32 to vector<16xi32>
        %sub3A_281 = arith.subi %get3A_279, %sub3A_280 : vector<16xi32>
        %lt3A_282 = arith.cmpi slt, %sub3A_281, %broadcast_in_dim3A_83 : vector<16xi32>
        %ge3A_283 = arith.cmpi sge, %sub3A_281, %broadcast_in_dim3A_85 : vector<16xi32>
        %or3A_284 = arith.ori %lt3A_282, %ge3A_283 : vector<16xi1>
        %select_n3A_285 = arith.select %or3A_284, %broadcast_in_dim3A_87, %sub3A_281 : vector<16xi1>, vector<16xi32>
        %swap3A_286 = arith.constant 3 : i32
        %swap3A_287 = arith.index_cast %swap3A_286 : i32 to index
        %swap3A_288 = arith.constant 32 : index
        %swap3A_289 = tpu.vector_load %arg10[%swap3A_287, %swap3A_288] {strides = array<i32>} : memref<4x80xi32, #tpu.memory_space<vmem>>, vector<1x16xi32>,
        %swap3A_290 = vector.shape_cast %swap3A_289 : vector<1x16xi32> to vector<16xi32>
        %swap3A_291 = vector.shape_cast %select_n3A_285 : vector<16xi32> to vector<1x16xi32>
        tpu.vector_store %arg10[%swap3A_287, %swap3A_288], %swap3A_291 {strides = array<i32>} : memref<4x80xi32, #tpu.memory_space<vmem>>, vector<1x16xi32>,
        %get3A_292 = arith.constant 3 : i32
        %get3A_293 = arith.index_cast %get3A_292 : i32 to index
        %get3A_294 = arith.constant 48 : index
        %get3A_295 = tpu.vector_load %arg10[%get3A_293, %get3A_294] {strides = array<i32>} : memref<4x80xi32, #tpu.memory_space<vmem>>, vector<1x16xi32>,
        %get3A_296 = vector.shape_cast %get3A_295 : vector<1x16xi32> to vector<16xi32>
        %sub3A_297 = vector.broadcast %mul3A_98 : i32 to vector<16xi32>
        %sub3A_298 = arith.subi %get3A_296, %sub3A_297 : vector<16xi32>
        %lt3A_299 = arith.cmpi slt, %sub3A_298, %broadcast_in_dim3A_83 : vector<16xi32>
        %ge3A_300 = arith.cmpi sge, %sub3A_298, %broadcast_in_dim3A_85 : vector<16xi32>
        %or3A_301 = arith.ori %lt3A_299, %ge3A_300 : vector<16xi1>
        %select_n3A_302 = arith.select %or3A_301, %broadcast_in_dim3A_87, %sub3A_298 : vector<16xi1>, vector<16xi32>
        %swap3A_303 = arith.constant 3 : i32
        %swap3A_304 = arith.index_cast %swap3A_303 : i32 to index
        %swap3A_305 = arith.constant 48 : index
        %swap3A_306 = tpu.vector_load %arg10[%swap3A_304, %swap3A_305] {strides = array<i32>} : memref<4x80xi32, #tpu.memory_space<vmem>>, vector<1x16xi32>,
        %swap3A_307 = vector.shape_cast %swap3A_306 : vector<1x16xi32> to vector<16xi32>
        %swap3A_308 = vector.shape_cast %select_n3A_302 : vector<16xi32> to vector<1x16xi32>
        tpu.vector_store %arg10[%swap3A_304, %swap3A_305], %swap3A_308 {strides = array<i32>} : memref<4x80xi32, #tpu.memory_space<vmem>>, vector<1x16xi32>,
        %get3A_309 = arith.constant 3 : i32
        %get3A_310 = arith.index_cast %get3A_309 : i32 to index
        %get3A_311 = arith.constant 64 : index
        %get3A_312 = tpu.vector_load %arg10[%get3A_310, %get3A_311] {strides = array<i32>} : memref<4x80xi32, #tpu.memory_space<vmem>>, vector<1x16xi32>,
        %get3A_313 = vector.shape_cast %get3A_312 : vector<1x16xi32> to vector<16xi32>
        %sub3A_314 = vector.broadcast %mul3A_98 : i32 to vector<16xi32>
        %sub3A_315 = arith.subi %get3A_313, %sub3A_314 : vector<16xi32>
        %lt3A_316 = arith.cmpi slt, %sub3A_315, %broadcast_in_dim3A_83 : vector<16xi32>
        %ge3A_317 = arith.cmpi sge, %sub3A_315, %broadcast_in_dim3A_85 : vector<16xi32>
        %or3A_318 = arith.ori %lt3A_316, %ge3A_317 : vector<16xi1>
        %select_n3A_319 = arith.select %or3A_318, %broadcast_in_dim3A_87, %sub3A_315 : vector<16xi1>, vector<16xi32>
        %swap3A_320 = arith.constant 3 : i32
        %swap3A_321 = arith.index_cast %swap3A_320 : i32 to index
        %swap3A_322 = arith.constant 64 : index
        %swap3A_323 = tpu.vector_load %arg10[%swap3A_321, %swap3A_322] {strides = array<i32>} : memref<4x80xi32, #tpu.memory_space<vmem>>, vector<1x16xi32>,
        %swap3A_324 = vector.shape_cast %swap3A_323 : vector<1x16xi32> to vector<16xi32>
        %swap3A_325 = vector.shape_cast %select_n3A_319 : vector<16xi32> to vector<1x16xi32>
        tpu.vector_store %arg10[%swap3A_321, %swap3A_322], %swap3A_325 {strides = array<i32>} : memref<4x80xi32, #tpu.memory_space<vmem>>, vector<1x16xi32>,
        %dma_start3A = arith.constant 3 : i32
        %dma_start3A_326 = arith.constant 0 : i32
        %dma_start3A_327 = tpu.memref_slice %arg10[%dma_start3A, %dma_start3A_326] : memref<4x80xi32, #tpu.memory_space<vmem>> -> memref<1x80xi32, #tpu.memory_space<vmem>>
        %dma_start3A_328 = tpu.memref_squeeze %dma_start3A_327 : memref<1x80xi32, #tpu.memory_space<vmem>> -> memref<80xi32, #tpu.memory_space<vmem>>
        %dma_start3A_329 = arith.constant 0 : i32
        %dma_start3A_330 = arith.constant 0 : i32
        %dma_start3A_331 = tpu.memref_slice %arg12[%dma_start3A_329, %dma_start3A_330] : memref<5008x128xf32, #tpu.memory_space<vmem_shared>> -> memref<5008x128xf32, #tpu.memory_space<vmem_shared>>
        tpu.enqueue_indirect_dma source(%arg9 : memref<80x128xf32, #tpu.memory_space<vmem>>) target(%dma_start3A_331 : memref<5008x128xf32, #tpu.memory_space<vmem_shared>>) offsets(%dma_start3A_328 : memref<80xi32, #tpu.memory_space<vmem>>) semaphore(%arg16 : memref<!tpu.dma_semaphore, #tpu.memory_space<semaphore_mem>>) {add = true}
      } else {
      }
      %while3A_221 = arith.constant 0 : i32
      scf.yield %while3A_221 : i32
    }
    %while3A_108 = arith.constant 1 : i32
    %while3A_109 = scf.for %while3A_131 = %while3A_105 to %while3A_101 step %while3A_108 iter_args(%while3A_132 = %while3A_107) -> (i32)  : i32 {
      %ge3A = arith.constant 2 : i32
      %ge3A_133 = arith.cmpi sge, %while3A_131, %ge3A : i32
      %convert_element_type3A_134 = arith.extui %ge3A_133 : i1 to i32
      %cond3A_135 = arith.constant 0 : i32
      %cond3A_136 = arith.cmpi ne, %convert_element_type3A_134, %cond3A_135 : i32
      scf.if %cond3A_136 {
        %dma_wait3A = arith.constant 0 : i32
        %dma_wait3A_222 = arith.constant 0 : i32
        %dma_wait3A_223 = tpu.memref_slice %arg3[%dma_wait3A, %dma_wait3A_222] : memref<320000x128xf32, #tpu.memory_space<hbm>> -> memref<80x128xf32, #tpu.memory_space<hbm>>
        %dma_wait3A_224 = arith.constant 0 : i32
        %dma_wait3A_225 = arith.constant 0 : i32
        %dma_wait3A_226 = tpu.memref_slice %arg3[%dma_wait3A_224, %dma_wait3A_225] : memref<320000x128xf32, #tpu.memory_space<hbm>> -> memref<80x128xf32, #tpu.memory_space<hbm>>
        tpu.wait_dma2 semaphore(%arg16 : memref<!tpu.dma_semaphore, #tpu.memory_space<semaphore_mem>>) src(%dma_wait3A_226 : memref<80x128xf32, #tpu.memory_space<hbm>>) dst(%arg6 : memref<80x128xf32, #tpu.memory_space<vmem>>)
      } else {
      }
      %jit3A_137 = arith.constant 4 : i32
      %eq3A_138 = arith.constant 0 : i32
      %eq3A_139 = arith.cmpi eq, %jit3A_137, %eq3A_138 : i32
      %jit3A_140 = arith.constant 1 : i32
      %select_n3A_141 = arith.select %eq3A_139, %jit3A_140, %jit3A_137 : i32
      %rem3A_142 = arith.remsi %while3A_131, %select_n3A_141 : i32
      %ne3A_143 = arith.constant 0 : i32
      %ne3A_144 = arith.cmpi ne, %rem3A_142, %ne3A_143 : i32
      %lt3A_145 = arith.constant 0 : i32
      %lt3A_146 = arith.cmpi slt, %rem3A_142, %lt3A_145 : i32
      %lt3A_147 = arith.constant 0 : i32
      %lt3A_148 = arith.cmpi slt, %select_n3A_141, %lt3A_147 : i32
      %ne3A_149 = arith.xori %lt3A_146, %lt3A_148 : i1
      %and3A_150 = arith.andi %ne3A_149, %ne3A_144 : i1
      %add3A_151 = arith.addi %rem3A_142, %select_n3A_141 : i32
      %select_n3A_152 = arith.select %and3A_150, %add3A_151, %rem3A_142 : i32
      %eq3A_153 = arith.constant 0 : i32
      %eq3A_154 = arith.cmpi eq, %select_n3A_152, %eq3A_153 : i32
      %convert_element_type3A_155 = arith.extui %eq3A_154 : i1 to i32
      %cond3A_156 = arith.constant 0 : i32
      %cond3A_157 = arith.cmpi ne, %convert_element_type3A_155, %cond3A_156 : i32
      scf.if %cond3A_157 {
        %add3A_222 = arith.constant 2 : i32
        %add3A_223 = arith.addi %while3A_131, %add3A_222 : i32
        %lt3A_224 = arith.cmpi slt, %add3A_223, %max3A_71 : i32
        %convert_element_type3A_225 = arith.extui %lt3A_224 : i1 to i32
        %cond3A_226 = arith.constant 0 : i32
        %cond3A_227 = arith.cmpi ne, %convert_element_type3A_225, %cond3A_226 : i32
        scf.if %cond3A_227 {
          %add3A_332 = arith.constant 2 : i32
          %add3A_333 = arith.addi %while3A_131, %add3A_332 : i32
          %mul3A_334 = arith.constant 16 : i32
          %mul3A_335 = arith.muli %mul3A_334, %add3A_333 : i32
          %add3A_336 = arith.addi %add3A_72, %mul3A_335 : i32
          %mul3A_337 = arith.constant 80 : i32
          %mul3A_338 = arith.muli %add3A_336, %mul3A_337 : i32
          %dma_start3A_339 = arith.constant 0 : i32
          %dma_start3A_340 = tpu.memref_slice %arg3[%mul3A_338, %dma_start3A_339] : memref<320000x128xf32, #tpu.memory_space<hbm>> -> memref<80x128xf32, #tpu.memory_space<hbm>>
          %dma_start3A_341 = arith.constant 0 : i32
          %dma_start3A_342 = tpu.memref_slice %arg3[%mul3A_338, %dma_start3A_341] : memref<320000x128xf32, #tpu.memory_space<hbm>> -> memref<80x128xf32, #tpu.memory_space<hbm>>
          tpu.enqueue_dma source(%dma_start3A_342 : memref<80x128xf32, #tpu.memory_space<hbm>>) target(%arg8 : memref<80x128xf32, #tpu.memory_space<vmem>>) target_semaphore(%arg13 : memref<!tpu.dma_semaphore, #tpu.memory_space<semaphore_mem>>)
          %mul3A_343 = arith.constant 80 : i32
          %mul3A_344 = arith.muli %add3A_336, %mul3A_343 : i32
          %dma_start3A_345 = arith.constant 2 : i32
          %dma_start3A_346 = arith.constant 0 : i32
          %dma_start3A_347 = tpu.memref_slice %arg10[%dma_start3A_345, %dma_start3A_346] : memref<4x80xi32, #tpu.memory_space<vmem>> -> memref<1x80xi32, #tpu.memory_space<vmem>>
          %dma_start3A_348 = tpu.memref_squeeze %dma_start3A_347 : memref<1x80xi32, #tpu.memory_space<vmem>> -> memref<80xi32, #tpu.memory_space<vmem>>
          %dma_start3A_349 = tpu.memref_slice %arg4[%mul3A_344] : memref<320000xi32, #tpu.memory_space<hbm>> -> memref<80xi32, #tpu.memory_space<hbm>>
          %dma_start3A_350 = arith.constant 0 : i32
          %dma_start3A_351 = tpu.memref_slice %arg10[%dma_start3A_345, %dma_start3A_350] : memref<4x80xi32, #tpu.memory_space<vmem>> -> memref<1x80xi32, #tpu.memory_space<vmem>>
          %dma_start3A_352 = tpu.memref_squeeze %dma_start3A_351 : memref<1x80xi32, #tpu.memory_space<vmem>> -> memref<80xi32, #tpu.memory_space<vmem>>
          %dma_start3A_353 = tpu.memref_slice %arg4[%mul3A_344] : memref<320000xi32, #tpu.memory_space<hbm>> -> memref<80xi32, #tpu.memory_space<hbm>>
          tpu.enqueue_dma source(%dma_start3A_353 : memref<80xi32, #tpu.memory_space<hbm>>) target(%dma_start3A_352 : memref<80xi32, #tpu.memory_space<vmem>>) target_semaphore(%arg14 : memref<!tpu.dma_semaphore, #tpu.memory_space<semaphore_mem>>)
        } else {
        }
        %dma_wait3A = arith.constant 0 : i32
        %dma_wait3A_228 = arith.constant 0 : i32
        %dma_wait3A_229 = tpu.memref_slice %arg3[%dma_wait3A, %dma_wait3A_228] : memref<320000x128xf32, #tpu.memory_space<hbm>> -> memref<80x128xf32, #tpu.memory_space<hbm>>
        %dma_wait3A_230 = arith.constant 0 : i32
        %dma_wait3A_231 = arith.constant 0 : i32
        %dma_wait3A_232 = tpu.memref_slice %arg3[%dma_wait3A_230, %dma_wait3A_231] : memref<320000x128xf32, #tpu.memory_space<hbm>> -> memref<80x128xf32, #tpu.memory_space<hbm>>
        tpu.wait_dma2 semaphore(%arg13 : memref<!tpu.dma_semaphore, #tpu.memory_space<semaphore_mem>>) src(%dma_wait3A_232 : memref<80x128xf32, #tpu.memory_space<hbm>>) dst(%arg6 : memref<80x128xf32, #tpu.memory_space<vmem>>)
        %dma_wait3A_233 = arith.constant 0 : i32
        %dma_wait3A_234 = arith.constant 0 : i32
        %dma_wait3A_235 = tpu.memref_slice %arg10[%dma_wait3A_233, %dma_wait3A_234] : memref<4x80xi32, #tpu.memory_space<vmem>> -> memref<1x80xi32, #tpu.memory_space<vmem>>
        %dma_wait3A_236 = tpu.memref_squeeze %dma_wait3A_235 : memref<1x80xi32, #tpu.memory_space<vmem>> -> memref<80xi32, #tpu.memory_space<vmem>>
        %dma_wait3A_237 = arith.constant 0 : i32
        %dma_wait3A_238 = tpu.memref_slice %arg4[%dma_wait3A_237] : memref<320000xi32, #tpu.memory_space<hbm>> -> memref<80xi32, #tpu.memory_space<hbm>>
        %dma_wait3A_239 = arith.constant 0 : i32
        %dma_wait3A_240 = tpu.memref_slice %arg10[%dma_wait3A_233, %dma_wait3A_239] : memref<4x80xi32, #tpu.memory_space<vmem>> -> memref<1x80xi32, #tpu.memory_space<vmem>>
        %dma_wait3A_241 = tpu.memref_squeeze %dma_wait3A_240 : memref<1x80xi32, #tpu.memory_space<vmem>> -> memref<80xi32, #tpu.memory_space<vmem>>
        %dma_wait3A_242 = arith.constant 0 : i32
        %dma_wait3A_243 = tpu.memref_slice %arg4[%dma_wait3A_242] : memref<320000xi32, #tpu.memory_space<hbm>> -> memref<80xi32, #tpu.memory_space<hbm>>
        tpu.wait_dma2 semaphore(%arg14 : memref<!tpu.dma_semaphore, #tpu.memory_space<semaphore_mem>>) src(%dma_wait3A_243 : memref<80xi32, #tpu.memory_space<hbm>>) dst(%dma_wait3A_241 : memref<80xi32, #tpu.memory_space<vmem>>)
        %get3A = arith.constant 0 : i32
        %get3A_244 = arith.index_cast %get3A : i32 to index
        %get3A_245 = arith.constant 0 : index
        %get3A_246 = tpu.vector_load %arg10[%get3A_244, %get3A_245] {strides = array<i32>} : memref<4x80xi32, #tpu.memory_space<vmem>>, vector<1x16xi32>,
        %get3A_247 = vector.shape_cast %get3A_246 : vector<1x16xi32> to vector<16xi32>
        %sub3A_248 = vector.broadcast %mul3A_98 : i32 to vector<16xi32>
        %sub3A_249 = arith.subi %get3A_247, %sub3A_248 : vector<16xi32>
        %lt3A_250 = arith.cmpi slt, %sub3A_249, %broadcast_in_dim3A_83 : vector<16xi32>
        %ge3A_251 = arith.cmpi sge, %sub3A_249, %broadcast_in_dim3A_85 : vector<16xi32>
        %or3A = arith.ori %lt3A_250, %ge3A_251 : vector<16xi1>
        %select_n3A_252 = arith.select %or3A, %broadcast_in_dim3A_87, %sub3A_249 : vector<16xi1>, vector<16xi32>
        %swap3A = arith.constant 0 : i32
        %swap3A_253 = arith.index_cast %swap3A : i32 to index
        %swap3A_254 = arith.constant 0 : index
        %swap3A_255 = tpu.vector_load %arg10[%swap3A_253, %swap3A_254] {strides = array<i32>} : memref<4x80xi32, #tpu.memory_space<vmem>>, vector<1x16xi32>,
        %swap3A_256 = vector.shape_cast %swap3A_255 : vector<1x16xi32> to vector<16xi32>
        %swap3A_257 = vector.shape_cast %select_n3A_252 : vector<16xi32> to vector<1x16xi32>
        tpu.vector_store %arg10[%swap3A_253, %swap3A_254], %swap3A_257 {strides = array<i32>} : memref<4x80xi32, #tpu.memory_space<vmem>>, vector<1x16xi32>,
        %get3A_258 = arith.constant 0 : i32
        %get3A_259 = arith.index_cast %get3A_258 : i32 to index
        %get3A_260 = arith.constant 16 : index
        %get3A_261 = tpu.vector_load %arg10[%get3A_259, %get3A_260] {strides = array<i32>} : memref<4x80xi32, #tpu.memory_space<vmem>>, vector<1x16xi32>,
        %get3A_262 = vector.shape_cast %get3A_261 : vector<1x16xi32> to vector<16xi32>
        %sub3A_263 = vector.broadcast %mul3A_98 : i32 to vector<16xi32>
        %sub3A_264 = arith.subi %get3A_262, %sub3A_263 : vector<16xi32>
        %lt3A_265 = arith.cmpi slt, %sub3A_264, %broadcast_in_dim3A_83 : vector<16xi32>
        %ge3A_266 = arith.cmpi sge, %sub3A_264, %broadcast_in_dim3A_85 : vector<16xi32>
        %or3A_267 = arith.ori %lt3A_265, %ge3A_266 : vector<16xi1>
        %select_n3A_268 = arith.select %or3A_267, %broadcast_in_dim3A_87, %sub3A_264 : vector<16xi1>, vector<16xi32>
        %swap3A_269 = arith.constant 0 : i32
        %swap3A_270 = arith.index_cast %swap3A_269 : i32 to index
        %swap3A_271 = arith.constant 16 : index
        %swap3A_272 = tpu.vector_load %arg10[%swap3A_270, %swap3A_271] {strides = array<i32>} : memref<4x80xi32, #tpu.memory_space<vmem>>, vector<1x16xi32>,
        %swap3A_273 = vector.shape_cast %swap3A_272 : vector<1x16xi32> to vector<16xi32>
        %swap3A_274 = vector.shape_cast %select_n3A_268 : vector<16xi32> to vector<1x16xi32>
        tpu.vector_store %arg10[%swap3A_270, %swap3A_271], %swap3A_274 {strides = array<i32>} : memref<4x80xi32, #tpu.memory_space<vmem>>, vector<1x16xi32>,
        %get3A_275 = arith.constant 0 : i32
        %get3A_276 = arith.index_cast %get3A_275 : i32 to index
        %get3A_277 = arith.constant 32 : index
        %get3A_278 = tpu.vector_load %arg10[%get3A_276, %get3A_277] {strides = array<i32>} : memref<4x80xi32, #tpu.memory_space<vmem>>, vector<1x16xi32>,
        %get3A_279 = vector.shape_cast %get3A_278 : vector<1x16xi32> to vector<16xi32>
        %sub3A_280 = vector.broadcast %mul3A_98 : i32 to vector<16xi32>
        %sub3A_281 = arith.subi %get3A_279, %sub3A_280 : vector<16xi32>
        %lt3A_282 = arith.cmpi slt, %sub3A_281, %broadcast_in_dim3A_83 : vector<16xi32>
        %ge3A_283 = arith.cmpi sge, %sub3A_281, %broadcast_in_dim3A_85 : vector<16xi32>
        %or3A_284 = arith.ori %lt3A_282, %ge3A_283 : vector<16xi1>
        %select_n3A_285 = arith.select %or3A_284, %broadcast_in_dim3A_87, %sub3A_281 : vector<16xi1>, vector<16xi32>
        %swap3A_286 = arith.constant 0 : i32
        %swap3A_287 = arith.index_cast %swap3A_286 : i32 to index
        %swap3A_288 = arith.constant 32 : index
        %swap3A_289 = tpu.vector_load %arg10[%swap3A_287, %swap3A_288] {strides = array<i32>} : memref<4x80xi32, #tpu.memory_space<vmem>>, vector<1x16xi32>,
        %swap3A_290 = vector.shape_cast %swap3A_289 : vector<1x16xi32> to vector<16xi32>
        %swap3A_291 = vector.shape_cast %select_n3A_285 : vector<16xi32> to vector<1x16xi32>
        tpu.vector_store %arg10[%swap3A_287, %swap3A_288], %swap3A_291 {strides = array<i32>} : memref<4x80xi32, #tpu.memory_space<vmem>>, vector<1x16xi32>,
        %get3A_292 = arith.constant 0 : i32
        %get3A_293 = arith.index_cast %get3A_292 : i32 to index
        %get3A_294 = arith.constant 48 : index
        %get3A_295 = tpu.vector_load %arg10[%get3A_293, %get3A_294] {strides = array<i32>} : memref<4x80xi32, #tpu.memory_space<vmem>>, vector<1x16xi32>,
        %get3A_296 = vector.shape_cast %get3A_295 : vector<1x16xi32> to vector<16xi32>
        %sub3A_297 = vector.broadcast %mul3A_98 : i32 to vector<16xi32>
        %sub3A_298 = arith.subi %get3A_296, %sub3A_297 : vector<16xi32>
        %lt3A_299 = arith.cmpi slt, %sub3A_298, %broadcast_in_dim3A_83 : vector<16xi32>
        %ge3A_300 = arith.cmpi sge, %sub3A_298, %broadcast_in_dim3A_85 : vector<16xi32>
        %or3A_301 = arith.ori %lt3A_299, %ge3A_300 : vector<16xi1>
        %select_n3A_302 = arith.select %or3A_301, %broadcast_in_dim3A_87, %sub3A_298 : vector<16xi1>, vector<16xi32>
        %swap3A_303 = arith.constant 0 : i32
        %swap3A_304 = arith.index_cast %swap3A_303 : i32 to index
        %swap3A_305 = arith.constant 48 : index
        %swap3A_306 = tpu.vector_load %arg10[%swap3A_304, %swap3A_305] {strides = array<i32>} : memref<4x80xi32, #tpu.memory_space<vmem>>, vector<1x16xi32>,
        %swap3A_307 = vector.shape_cast %swap3A_306 : vector<1x16xi32> to vector<16xi32>
        %swap3A_308 = vector.shape_cast %select_n3A_302 : vector<16xi32> to vector<1x16xi32>
        tpu.vector_store %arg10[%swap3A_304, %swap3A_305], %swap3A_308 {strides = array<i32>} : memref<4x80xi32, #tpu.memory_space<vmem>>, vector<1x16xi32>,
        %get3A_309 = arith.constant 0 : i32
        %get3A_310 = arith.index_cast %get3A_309 : i32 to index
        %get3A_311 = arith.constant 64 : index
        %get3A_312 = tpu.vector_load %arg10[%get3A_310, %get3A_311] {strides = array<i32>} : memref<4x80xi32, #tpu.memory_space<vmem>>, vector<1x16xi32>,
        %get3A_313 = vector.shape_cast %get3A_312 : vector<1x16xi32> to vector<16xi32>
        %sub3A_314 = vector.broadcast %mul3A_98 : i32 to vector<16xi32>
        %sub3A_315 = arith.subi %get3A_313, %sub3A_314 : vector<16xi32>
        %lt3A_316 = arith.cmpi slt, %sub3A_315, %broadcast_in_dim3A_83 : vector<16xi32>
        %ge3A_317 = arith.cmpi sge, %sub3A_315, %broadcast_in_dim3A_85 : vector<16xi32>
        %or3A_318 = arith.ori %lt3A_316, %ge3A_317 : vector<16xi1>
        %select_n3A_319 = arith.select %or3A_318, %broadcast_in_dim3A_87, %sub3A_315 : vector<16xi1>, vector<16xi32>
        %swap3A_320 = arith.constant 0 : i32
        %swap3A_321 = arith.index_cast %swap3A_320 : i32 to index
        %swap3A_322 = arith.constant 64 : index
        %swap3A_323 = tpu.vector_load %arg10[%swap3A_321, %swap3A_322] {strides = array<i32>} : memref<4x80xi32, #tpu.memory_space<vmem>>, vector<1x16xi32>,
        %swap3A_324 = vector.shape_cast %swap3A_323 : vector<1x16xi32> to vector<16xi32>
        %swap3A_325 = vector.shape_cast %select_n3A_319 : vector<16xi32> to vector<1x16xi32>
        tpu.vector_store %arg10[%swap3A_321, %swap3A_322], %swap3A_325 {strides = array<i32>} : memref<4x80xi32, #tpu.memory_space<vmem>>, vector<1x16xi32>,
        %dma_start3A = arith.constant 0 : i32
        %dma_start3A_326 = arith.constant 0 : i32
        %dma_start3A_327 = tpu.memref_slice %arg10[%dma_start3A, %dma_start3A_326] : memref<4x80xi32, #tpu.memory_space<vmem>> -> memref<1x80xi32, #tpu.memory_space<vmem>>
        %dma_start3A_328 = tpu.memref_squeeze %dma_start3A_327 : memref<1x80xi32, #tpu.memory_space<vmem>> -> memref<80xi32, #tpu.memory_space<vmem>>
        %dma_start3A_329 = arith.constant 0 : i32
        %dma_start3A_330 = arith.constant 0 : i32
        %dma_start3A_331 = tpu.memref_slice %arg12[%dma_start3A_329, %dma_start3A_330] : memref<5008x128xf32, #tpu.memory_space<vmem_shared>> -> memref<5008x128xf32, #tpu.memory_space<vmem_shared>>
        tpu.enqueue_indirect_dma source(%arg6 : memref<80x128xf32, #tpu.memory_space<vmem>>) target(%dma_start3A_331 : memref<5008x128xf32, #tpu.memory_space<vmem_shared>>) offsets(%dma_start3A_328 : memref<80xi32, #tpu.memory_space<vmem>>) semaphore(%arg16 : memref<!tpu.dma_semaphore, #tpu.memory_space<semaphore_mem>>) {add = true}
      } else {
      }
      %jit3A_158 = arith.constant 4 : i32
      %eq3A_159 = arith.constant 0 : i32
      %eq3A_160 = arith.cmpi eq, %jit3A_158, %eq3A_159 : i32
      %jit3A_161 = arith.constant 1 : i32
      %select_n3A_162 = arith.select %eq3A_160, %jit3A_161, %jit3A_158 : i32
      %rem3A_163 = arith.remsi %while3A_131, %select_n3A_162 : i32
      %ne3A_164 = arith.constant 0 : i32
      %ne3A_165 = arith.cmpi ne, %rem3A_163, %ne3A_164 : i32
      %lt3A_166 = arith.constant 0 : i32
      %lt3A_167 = arith.cmpi slt, %rem3A_163, %lt3A_166 : i32
      %lt3A_168 = arith.constant 0 : i32
      %lt3A_169 = arith.cmpi slt, %select_n3A_162, %lt3A_168 : i32
      %ne3A_170 = arith.xori %lt3A_167, %lt3A_169 : i1
      %and3A_171 = arith.andi %ne3A_170, %ne3A_165 : i1
      %add3A_172 = arith.addi %rem3A_163, %select_n3A_162 : i32
      %select_n3A_173 = arith.select %and3A_171, %add3A_172, %rem3A_163 : i32
      %eq3A_174 = arith.constant 1 : i32
      %eq3A_175 = arith.cmpi eq, %select_n3A_173, %eq3A_174 : i32
      %convert_element_type3A_176 = arith.extui %eq3A_175 : i1 to i32
      %cond3A_177 = arith.constant 0 : i32
      %cond3A_178 = arith.cmpi ne, %convert_element_type3A_176, %cond3A_177 : i32
      scf.if %cond3A_178 {
        %add3A_222 = arith.constant 2 : i32
        %add3A_223 = arith.addi %while3A_131, %add3A_222 : i32
        %lt3A_224 = arith.cmpi slt, %add3A_223, %max3A_71 : i32
        %convert_element_type3A_225 = arith.extui %lt3A_224 : i1 to i32
        %cond3A_226 = arith.constant 0 : i32
        %cond3A_227 = arith.cmpi ne, %convert_element_type3A_225, %cond3A_226 : i32
        scf.if %cond3A_227 {
          %add3A_332 = arith.constant 2 : i32
          %add3A_333 = arith.addi %while3A_131, %add3A_332 : i32
          %mul3A_334 = arith.constant 16 : i32
          %mul3A_335 = arith.muli %mul3A_334, %add3A_333 : i32
          %add3A_336 = arith.addi %add3A_72, %mul3A_335 : i32
          %mul3A_337 = arith.constant 80 : i32
          %mul3A_338 = arith.muli %add3A_336, %mul3A_337 : i32
          %dma_start3A_339 = arith.constant 0 : i32
          %dma_start3A_340 = tpu.memref_slice %arg3[%mul3A_338, %dma_start3A_339] : memref<320000x128xf32, #tpu.memory_space<hbm>> -> memref<80x128xf32, #tpu.memory_space<hbm>>
          %dma_start3A_341 = arith.constant 0 : i32
          %dma_start3A_342 = tpu.memref_slice %arg3[%mul3A_338, %dma_start3A_341] : memref<320000x128xf32, #tpu.memory_space<hbm>> -> memref<80x128xf32, #tpu.memory_space<hbm>>
          tpu.enqueue_dma source(%dma_start3A_342 : memref<80x128xf32, #tpu.memory_space<hbm>>) target(%arg9 : memref<80x128xf32, #tpu.memory_space<vmem>>) target_semaphore(%arg13 : memref<!tpu.dma_semaphore, #tpu.memory_space<semaphore_mem>>)
          %mul3A_343 = arith.constant 80 : i32
          %mul3A_344 = arith.muli %add3A_336, %mul3A_343 : i32
          %dma_start3A_345 = arith.constant 3 : i32
          %dma_start3A_346 = arith.constant 0 : i32
          %dma_start3A_347 = tpu.memref_slice %arg10[%dma_start3A_345, %dma_start3A_346] : memref<4x80xi32, #tpu.memory_space<vmem>> -> memref<1x80xi32, #tpu.memory_space<vmem>>
          %dma_start3A_348 = tpu.memref_squeeze %dma_start3A_347 : memref<1x80xi32, #tpu.memory_space<vmem>> -> memref<80xi32, #tpu.memory_space<vmem>>
          %dma_start3A_349 = tpu.memref_slice %arg4[%mul3A_344] : memref<320000xi32, #tpu.memory_space<hbm>> -> memref<80xi32, #tpu.memory_space<hbm>>
          %dma_start3A_350 = arith.constant 0 : i32
          %dma_start3A_351 = tpu.memref_slice %arg10[%dma_start3A_345, %dma_start3A_350] : memref<4x80xi32, #tpu.memory_space<vmem>> -> memref<1x80xi32, #tpu.memory_space<vmem>>
          %dma_start3A_352 = tpu.memref_squeeze %dma_start3A_351 : memref<1x80xi32, #tpu.memory_space<vmem>> -> memref<80xi32, #tpu.memory_space<vmem>>
          %dma_start3A_353 = tpu.memref_slice %arg4[%mul3A_344] : memref<320000xi32, #tpu.memory_space<hbm>> -> memref<80xi32, #tpu.memory_space<hbm>>
          tpu.enqueue_dma source(%dma_start3A_353 : memref<80xi32, #tpu.memory_space<hbm>>) target(%dma_start3A_352 : memref<80xi32, #tpu.memory_space<vmem>>) target_semaphore(%arg14 : memref<!tpu.dma_semaphore, #tpu.memory_space<semaphore_mem>>)
        } else {
        }
        %dma_wait3A = arith.constant 0 : i32
        %dma_wait3A_228 = arith.constant 0 : i32
        %dma_wait3A_229 = tpu.memref_slice %arg3[%dma_wait3A, %dma_wait3A_228] : memref<320000x128xf32, #tpu.memory_space<hbm>> -> memref<80x128xf32, #tpu.memory_space<hbm>>
        %dma_wait3A_230 = arith.constant 0 : i32
        %dma_wait3A_231 = arith.constant 0 : i32
        %dma_wait3A_232 = tpu.memref_slice %arg3[%dma_wait3A_230, %dma_wait3A_231] : memref<320000x128xf32, #tpu.memory_space<hbm>> -> memref<80x128xf32, #tpu.memory_space<hbm>>
        tpu.wait_dma2 semaphore(%arg13 : memref<!tpu.dma_semaphore, #tpu.memory_space<semaphore_mem>>) src(%dma_wait3A_232 : memref<80x128xf32, #tpu.memory_space<hbm>>) dst(%arg7 : memref<80x128xf32, #tpu.memory_space<vmem>>)
        %dma_wait3A_233 = arith.constant 1 : i32
        %dma_wait3A_234 = arith.constant 0 : i32
        %dma_wait3A_235 = tpu.memref_slice %arg10[%dma_wait3A_233, %dma_wait3A_234] : memref<4x80xi32, #tpu.memory_space<vmem>> -> memref<1x80xi32, #tpu.memory_space<vmem>>
        %dma_wait3A_236 = tpu.memref_squeeze %dma_wait3A_235 : memref<1x80xi32, #tpu.memory_space<vmem>> -> memref<80xi32, #tpu.memory_space<vmem>>
        %dma_wait3A_237 = arith.constant 0 : i32
        %dma_wait3A_238 = tpu.memref_slice %arg4[%dma_wait3A_237] : memref<320000xi32, #tpu.memory_space<hbm>> -> memref<80xi32, #tpu.memory_space<hbm>>
        %dma_wait3A_239 = arith.constant 0 : i32
        %dma_wait3A_240 = tpu.memref_slice %arg10[%dma_wait3A_233, %dma_wait3A_239] : memref<4x80xi32, #tpu.memory_space<vmem>> -> memref<1x80xi32, #tpu.memory_space<vmem>>
        %dma_wait3A_241 = tpu.memref_squeeze %dma_wait3A_240 : memref<1x80xi32, #tpu.memory_space<vmem>> -> memref<80xi32, #tpu.memory_space<vmem>>
        %dma_wait3A_242 = arith.constant 0 : i32
        %dma_wait3A_243 = tpu.memref_slice %arg4[%dma_wait3A_242] : memref<320000xi32, #tpu.memory_space<hbm>> -> memref<80xi32, #tpu.memory_space<hbm>>
        tpu.wait_dma2 semaphore(%arg14 : memref<!tpu.dma_semaphore, #tpu.memory_space<semaphore_mem>>) src(%dma_wait3A_243 : memref<80xi32, #tpu.memory_space<hbm>>) dst(%dma_wait3A_241 : memref<80xi32, #tpu.memory_space<vmem>>)
        %get3A = arith.constant 1 : i32
        %get3A_244 = arith.index_cast %get3A : i32 to index
        %get3A_245 = arith.constant 0 : index
        %get3A_246 = tpu.vector_load %arg10[%get3A_244, %get3A_245] {strides = array<i32>} : memref<4x80xi32, #tpu.memory_space<vmem>>, vector<1x16xi32>,
        %get3A_247 = vector.shape_cast %get3A_246 : vector<1x16xi32> to vector<16xi32>
        %sub3A_248 = vector.broadcast %mul3A_98 : i32 to vector<16xi32>
        %sub3A_249 = arith.subi %get3A_247, %sub3A_248 : vector<16xi32>
        %lt3A_250 = arith.cmpi slt, %sub3A_249, %broadcast_in_dim3A_83 : vector<16xi32>
        %ge3A_251 = arith.cmpi sge, %sub3A_249, %broadcast_in_dim3A_85 : vector<16xi32>
        %or3A = arith.ori %lt3A_250, %ge3A_251 : vector<16xi1>
        %select_n3A_252 = arith.select %or3A, %broadcast_in_dim3A_87, %sub3A_249 : vector<16xi1>, vector<16xi32>
        %swap3A = arith.constant 1 : i32
        %swap3A_253 = arith.index_cast %swap3A : i32 to index
        %swap3A_254 = arith.constant 0 : index
        %swap3A_255 = tpu.vector_load %arg10[%swap3A_253, %swap3A_254] {strides = array<i32>} : memref<4x80xi32, #tpu.memory_space<vmem>>, vector<1x16xi32>,
        %swap3A_256 = vector.shape_cast %swap3A_255 : vector<1x16xi32> to vector<16xi32>
        %swap3A_257 = vector.shape_cast %select_n3A_252 : vector<16xi32> to vector<1x16xi32>
        tpu.vector_store %arg10[%swap3A_253, %swap3A_254], %swap3A_257 {strides = array<i32>} : memref<4x80xi32, #tpu.memory_space<vmem>>, vector<1x16xi32>,
        %get3A_258 = arith.constant 1 : i32
        %get3A_259 = arith.index_cast %get3A_258 : i32 to index
        %get3A_260 = arith.constant 16 : index
        %get3A_261 = tpu.vector_load %arg10[%get3A_259, %get3A_260] {strides = array<i32>} : memref<4x80xi32, #tpu.memory_space<vmem>>, vector<1x16xi32>,
        %get3A_262 = vector.shape_cast %get3A_261 : vector<1x16xi32> to vector<16xi32>
        %sub3A_263 = vector.broadcast %mul3A_98 : i32 to vector<16xi32>
        %sub3A_264 = arith.subi %get3A_262, %sub3A_263 : vector<16xi32>
        %lt3A_265 = arith.cmpi slt, %sub3A_264, %broadcast_in_dim3A_83 : vector<16xi32>
        %ge3A_266 = arith.cmpi sge, %sub3A_264, %broadcast_in_dim3A_85 : vector<16xi32>
        %or3A_267 = arith.ori %lt3A_265, %ge3A_266 : vector<16xi1>
        %select_n3A_268 = arith.select %or3A_267, %broadcast_in_dim3A_87, %sub3A_264 : vector<16xi1>, vector<16xi32>
        %swap3A_269 = arith.constant 1 : i32
        %swap3A_270 = arith.index_cast %swap3A_269 : i32 to index
        %swap3A_271 = arith.constant 16 : index
        %swap3A_272 = tpu.vector_load %arg10[%swap3A_270, %swap3A_271] {strides = array<i32>} : memref<4x80xi32, #tpu.memory_space<vmem>>, vector<1x16xi32>,
        %swap3A_273 = vector.shape_cast %swap3A_272 : vector<1x16xi32> to vector<16xi32>
        %swap3A_274 = vector.shape_cast %select_n3A_268 : vector<16xi32> to vector<1x16xi32>
        tpu.vector_store %arg10[%swap3A_270, %swap3A_271], %swap3A_274 {strides = array<i32>} : memref<4x80xi32, #tpu.memory_space<vmem>>, vector<1x16xi32>,
        %get3A_275 = arith.constant 1 : i32
        %get3A_276 = arith.index_cast %get3A_275 : i32 to index
        %get3A_277 = arith.constant 32 : index
        %get3A_278 = tpu.vector_load %arg10[%get3A_276, %get3A_277] {strides = array<i32>} : memref<4x80xi32, #tpu.memory_space<vmem>>, vector<1x16xi32>,
        %get3A_279 = vector.shape_cast %get3A_278 : vector<1x16xi32> to vector<16xi32>
        %sub3A_280 = vector.broadcast %mul3A_98 : i32 to vector<16xi32>
        %sub3A_281 = arith.subi %get3A_279, %sub3A_280 : vector<16xi32>
        %lt3A_282 = arith.cmpi slt, %sub3A_281, %broadcast_in_dim3A_83 : vector<16xi32>
        %ge3A_283 = arith.cmpi sge, %sub3A_281, %broadcast_in_dim3A_85 : vector<16xi32>
        %or3A_284 = arith.ori %lt3A_282, %ge3A_283 : vector<16xi1>
        %select_n3A_285 = arith.select %or3A_284, %broadcast_in_dim3A_87, %sub3A_281 : vector<16xi1>, vector<16xi32>
        %swap3A_286 = arith.constant 1 : i32
        %swap3A_287 = arith.index_cast %swap3A_286 : i32 to index
        %swap3A_288 = arith.constant 32 : index
        %swap3A_289 = tpu.vector_load %arg10[%swap3A_287, %swap3A_288] {strides = array<i32>} : memref<4x80xi32, #tpu.memory_space<vmem>>, vector<1x16xi32>,
        %swap3A_290 = vector.shape_cast %swap3A_289 : vector<1x16xi32> to vector<16xi32>
        %swap3A_291 = vector.shape_cast %select_n3A_285 : vector<16xi32> to vector<1x16xi32>
        tpu.vector_store %arg10[%swap3A_287, %swap3A_288], %swap3A_291 {strides = array<i32>} : memref<4x80xi32, #tpu.memory_space<vmem>>, vector<1x16xi32>,
        %get3A_292 = arith.constant 1 : i32
        %get3A_293 = arith.index_cast %get3A_292 : i32 to index
        %get3A_294 = arith.constant 48 : index
        %get3A_295 = tpu.vector_load %arg10[%get3A_293, %get3A_294] {strides = array<i32>} : memref<4x80xi32, #tpu.memory_space<vmem>>, vector<1x16xi32>,
        %get3A_296 = vector.shape_cast %get3A_295 : vector<1x16xi32> to vector<16xi32>
        %sub3A_297 = vector.broadcast %mul3A_98 : i32 to vector<16xi32>
        %sub3A_298 = arith.subi %get3A_296, %sub3A_297 : vector<16xi32>
        %lt3A_299 = arith.cmpi slt, %sub3A_298, %broadcast_in_dim3A_83 : vector<16xi32>
        %ge3A_300 = arith.cmpi sge, %sub3A_298, %broadcast_in_dim3A_85 : vector<16xi32>
        %or3A_301 = arith.ori %lt3A_299, %ge3A_300 : vector<16xi1>
        %select_n3A_302 = arith.select %or3A_301, %broadcast_in_dim3A_87, %sub3A_298 : vector<16xi1>, vector<16xi32>
        %swap3A_303 = arith.constant 1 : i32
        %swap3A_304 = arith.index_cast %swap3A_303 : i32 to index
        %swap3A_305 = arith.constant 48 : index
        %swap3A_306 = tpu.vector_load %arg10[%swap3A_304, %swap3A_305] {strides = array<i32>} : memref<4x80xi32, #tpu.memory_space<vmem>>, vector<1x16xi32>,
        %swap3A_307 = vector.shape_cast %swap3A_306 : vector<1x16xi32> to vector<16xi32>
        %swap3A_308 = vector.shape_cast %select_n3A_302 : vector<16xi32> to vector<1x16xi32>
        tpu.vector_store %arg10[%swap3A_304, %swap3A_305], %swap3A_308 {strides = array<i32>} : memref<4x80xi32, #tpu.memory_space<vmem>>, vector<1x16xi32>,
        %get3A_309 = arith.constant 1 : i32
        %get3A_310 = arith.index_cast %get3A_309 : i32 to index
        %get3A_311 = arith.constant 64 : index
        %get3A_312 = tpu.vector_load %arg10[%get3A_310, %get3A_311] {strides = array<i32>} : memref<4x80xi32, #tpu.memory_space<vmem>>, vector<1x16xi32>,
        %get3A_313 = vector.shape_cast %get3A_312 : vector<1x16xi32> to vector<16xi32>
        %sub3A_314 = vector.broadcast %mul3A_98 : i32 to vector<16xi32>
        %sub3A_315 = arith.subi %get3A_313, %sub3A_314 : vector<16xi32>
        %lt3A_316 = arith.cmpi slt, %sub3A_315, %broadcast_in_dim3A_83 : vector<16xi32>
        %ge3A_317 = arith.cmpi sge, %sub3A_315, %broadcast_in_dim3A_85 : vector<16xi32>
        %or3A_318 = arith.ori %lt3A_316, %ge3A_317 : vector<16xi1>
        %select_n3A_319 = arith.select %or3A_318, %broadcast_in_dim3A_87, %sub3A_315 : vector<16xi1>, vector<16xi32>
        %swap3A_320 = arith.constant 1 : i32
        %swap3A_321 = arith.index_cast %swap3A_320 : i32 to index
        %swap3A_322 = arith.constant 64 : index
        %swap3A_323 = tpu.vector_load %arg10[%swap3A_321, %swap3A_322] {strides = array<i32>} : memref<4x80xi32, #tpu.memory_space<vmem>>, vector<1x16xi32>,
        %swap3A_324 = vector.shape_cast %swap3A_323 : vector<1x16xi32> to vector<16xi32>
        %swap3A_325 = vector.shape_cast %select_n3A_319 : vector<16xi32> to vector<1x16xi32>
        tpu.vector_store %arg10[%swap3A_321, %swap3A_322], %swap3A_325 {strides = array<i32>} : memref<4x80xi32, #tpu.memory_space<vmem>>, vector<1x16xi32>,
        %dma_start3A = arith.constant 1 : i32
        %dma_start3A_326 = arith.constant 0 : i32
        %dma_start3A_327 = tpu.memref_slice %arg10[%dma_start3A, %dma_start3A_326] : memref<4x80xi32, #tpu.memory_space<vmem>> -> memref<1x80xi32, #tpu.memory_space<vmem>>
        %dma_start3A_328 = tpu.memref_squeeze %dma_start3A_327 : memref<1x80xi32, #tpu.memory_space<vmem>> -> memref<80xi32, #tpu.memory_space<vmem>>
        %dma_start3A_329 = arith.constant 0 : i32
        %dma_start3A_330 = arith.constant 0 : i32
        %dma_start3A_331 = tpu.memref_slice %arg12[%dma_start3A_329, %dma_start3A_330] : memref<5008x128xf32, #tpu.memory_space<vmem_shared>> -> memref<5008x128xf32, #tpu.memory_space<vmem_shared>>
        tpu.enqueue_indirect_dma source(%arg7 : memref<80x128xf32, #tpu.memory_space<vmem>>) target(%dma_start3A_331 : memref<5008x128xf32, #tpu.memory_space<vmem_shared>>) offsets(%dma_start3A_328 : memref<80xi32, #tpu.memory_space<vmem>>) semaphore(%arg16 : memref<!tpu.dma_semaphore, #tpu.memory_space<semaphore_mem>>) {add = true}
      } else {
      }
      %jit3A_179 = arith.constant 4 : i32
      %eq3A_180 = arith.constant 0 : i32
      %eq3A_181 = arith.cmpi eq, %jit3A_179, %eq3A_180 : i32
      %jit3A_182 = arith.constant 1 : i32
      %select_n3A_183 = arith.select %eq3A_181, %jit3A_182, %jit3A_179 : i32
      %rem3A_184 = arith.remsi %while3A_131, %select_n3A_183 : i32
      %ne3A_185 = arith.constant 0 : i32
      %ne3A_186 = arith.cmpi ne, %rem3A_184, %ne3A_185 : i32
      %lt3A_187 = arith.constant 0 : i32
      %lt3A_188 = arith.cmpi slt, %rem3A_184, %lt3A_187 : i32
      %lt3A_189 = arith.constant 0 : i32
      %lt3A_190 = arith.cmpi slt, %select_n3A_183, %lt3A_189 : i32
      %ne3A_191 = arith.xori %lt3A_188, %lt3A_190 : i1
      %and3A_192 = arith.andi %ne3A_191, %ne3A_186 : i1
      %add3A_193 = arith.addi %rem3A_184, %select_n3A_183 : i32
      %select_n3A_194 = arith.select %and3A_192, %add3A_193, %rem3A_184 : i32
      %eq3A_195 = arith.constant 2 : i32
      %eq3A_196 = arith.cmpi eq, %select_n3A_194, %eq3A_195 : i32
      %convert_element_type3A_197 = arith.extui %eq3A_196 : i1 to i32
      %cond3A_198 = arith.constant 0 : i32
      %cond3A_199 = arith.cmpi ne, %convert_element_type3A_197, %cond3A_198 : i32
      scf.if %cond3A_199 {
        %add3A_222 = arith.constant 2 : i32
        %add3A_223 = arith.addi %while3A_131, %add3A_222 : i32
        %lt3A_224 = arith.cmpi slt, %add3A_223, %max3A_71 : i32
        %convert_element_type3A_225 = arith.extui %lt3A_224 : i1 to i32
        %cond3A_226 = arith.constant 0 : i32
        %cond3A_227 = arith.cmpi ne, %convert_element_type3A_225, %cond3A_226 : i32
        scf.if %cond3A_227 {
          %add3A_332 = arith.constant 2 : i32
          %add3A_333 = arith.addi %while3A_131, %add3A_332 : i32
          %mul3A_334 = arith.constant 16 : i32
          %mul3A_335 = arith.muli %mul3A_334, %add3A_333 : i32
          %add3A_336 = arith.addi %add3A_72, %mul3A_335 : i32
          %mul3A_337 = arith.constant 80 : i32
          %mul3A_338 = arith.muli %add3A_336, %mul3A_337 : i32
          %dma_start3A_339 = arith.constant 0 : i32
          %dma_start3A_340 = tpu.memref_slice %arg3[%mul3A_338, %dma_start3A_339] : memref<320000x128xf32, #tpu.memory_space<hbm>> -> memref<80x128xf32, #tpu.memory_space<hbm>>
          %dma_start3A_341 = arith.constant 0 : i32
          %dma_start3A_342 = tpu.memref_slice %arg3[%mul3A_338, %dma_start3A_341] : memref<320000x128xf32, #tpu.memory_space<hbm>> -> memref<80x128xf32, #tpu.memory_space<hbm>>
          tpu.enqueue_dma source(%dma_start3A_342 : memref<80x128xf32, #tpu.memory_space<hbm>>) target(%arg6 : memref<80x128xf32, #tpu.memory_space<vmem>>) target_semaphore(%arg13 : memref<!tpu.dma_semaphore, #tpu.memory_space<semaphore_mem>>)
          %mul3A_343 = arith.constant 80 : i32
          %mul3A_344 = arith.muli %add3A_336, %mul3A_343 : i32
          %dma_start3A_345 = arith.constant 0 : i32
          %dma_start3A_346 = arith.constant 0 : i32
          %dma_start3A_347 = tpu.memref_slice %arg10[%dma_start3A_345, %dma_start3A_346] : memref<4x80xi32, #tpu.memory_space<vmem>> -> memref<1x80xi32, #tpu.memory_space<vmem>>
          %dma_start3A_348 = tpu.memref_squeeze %dma_start3A_347 : memref<1x80xi32, #tpu.memory_space<vmem>> -> memref<80xi32, #tpu.memory_space<vmem>>
          %dma_start3A_349 = tpu.memref_slice %arg4[%mul3A_344] : memref<320000xi32, #tpu.memory_space<hbm>> -> memref<80xi32, #tpu.memory_space<hbm>>
          %dma_start3A_350 = arith.constant 0 : i32
          %dma_start3A_351 = tpu.memref_slice %arg10[%dma_start3A_345, %dma_start3A_350] : memref<4x80xi32, #tpu.memory_space<vmem>> -> memref<1x80xi32, #tpu.memory_space<vmem>>
          %dma_start3A_352 = tpu.memref_squeeze %dma_start3A_351 : memref<1x80xi32, #tpu.memory_space<vmem>> -> memref<80xi32, #tpu.memory_space<vmem>>
          %dma_start3A_353 = tpu.memref_slice %arg4[%mul3A_344] : memref<320000xi32, #tpu.memory_space<hbm>> -> memref<80xi32, #tpu.memory_space<hbm>>
          tpu.enqueue_dma source(%dma_start3A_353 : memref<80xi32, #tpu.memory_space<hbm>>) target(%dma_start3A_352 : memref<80xi32, #tpu.memory_space<vmem>>) target_semaphore(%arg14 : memref<!tpu.dma_semaphore, #tpu.memory_space<semaphore_mem>>)
        } else {
        }
        %dma_wait3A = arith.constant 0 : i32
        %dma_wait3A_228 = arith.constant 0 : i32
        %dma_wait3A_229 = tpu.memref_slice %arg3[%dma_wait3A, %dma_wait3A_228] : memref<320000x128xf32, #tpu.memory_space<hbm>> -> memref<80x128xf32, #tpu.memory_space<hbm>>
        %dma_wait3A_230 = arith.constant 0 : i32
        %dma_wait3A_231 = arith.constant 0 : i32
        %dma_wait3A_232 = tpu.memref_slice %arg3[%dma_wait3A_230, %dma_wait3A_231] : memref<320000x128xf32, #tpu.memory_space<hbm>> -> memref<80x128xf32, #tpu.memory_space<hbm>>
        tpu.wait_dma2 semaphore(%arg13 : memref<!tpu.dma_semaphore, #tpu.memory_space<semaphore_mem>>) src(%dma_wait3A_232 : memref<80x128xf32, #tpu.memory_space<hbm>>) dst(%arg8 : memref<80x128xf32, #tpu.memory_space<vmem>>)
        %dma_wait3A_233 = arith.constant 2 : i32
        %dma_wait3A_234 = arith.constant 0 : i32
        %dma_wait3A_235 = tpu.memref_slice %arg10[%dma_wait3A_233, %dma_wait3A_234] : memref<4x80xi32, #tpu.memory_space<vmem>> -> memref<1x80xi32, #tpu.memory_space<vmem>>
        %dma_wait3A_236 = tpu.memref_squeeze %dma_wait3A_235 : memref<1x80xi32, #tpu.memory_space<vmem>> -> memref<80xi32, #tpu.memory_space<vmem>>
        %dma_wait3A_237 = arith.constant 0 : i32
        %dma_wait3A_238 = tpu.memref_slice %arg4[%dma_wait3A_237] : memref<320000xi32, #tpu.memory_space<hbm>> -> memref<80xi32, #tpu.memory_space<hbm>>
        %dma_wait3A_239 = arith.constant 0 : i32
        %dma_wait3A_240 = tpu.memref_slice %arg10[%dma_wait3A_233, %dma_wait3A_239] : memref<4x80xi32, #tpu.memory_space<vmem>> -> memref<1x80xi32, #tpu.memory_space<vmem>>
        %dma_wait3A_241 = tpu.memref_squeeze %dma_wait3A_240 : memref<1x80xi32, #tpu.memory_space<vmem>> -> memref<80xi32, #tpu.memory_space<vmem>>
        %dma_wait3A_242 = arith.constant 0 : i32
        %dma_wait3A_243 = tpu.memref_slice %arg4[%dma_wait3A_242] : memref<320000xi32, #tpu.memory_space<hbm>> -> memref<80xi32, #tpu.memory_space<hbm>>
        tpu.wait_dma2 semaphore(%arg14 : memref<!tpu.dma_semaphore, #tpu.memory_space<semaphore_mem>>) src(%dma_wait3A_243 : memref<80xi32, #tpu.memory_space<hbm>>) dst(%dma_wait3A_241 : memref<80xi32, #tpu.memory_space<vmem>>)
        %get3A = arith.constant 2 : i32
        %get3A_244 = arith.index_cast %get3A : i32 to index
        %get3A_245 = arith.constant 0 : index
        %get3A_246 = tpu.vector_load %arg10[%get3A_244, %get3A_245] {strides = array<i32>} : memref<4x80xi32, #tpu.memory_space<vmem>>, vector<1x16xi32>,
        %get3A_247 = vector.shape_cast %get3A_246 : vector<1x16xi32> to vector<16xi32>
        %sub3A_248 = vector.broadcast %mul3A_98 : i32 to vector<16xi32>
        %sub3A_249 = arith.subi %get3A_247, %sub3A_248 : vector<16xi32>
        %lt3A_250 = arith.cmpi slt, %sub3A_249, %broadcast_in_dim3A_83 : vector<16xi32>
        %ge3A_251 = arith.cmpi sge, %sub3A_249, %broadcast_in_dim3A_85 : vector<16xi32>
        %or3A = arith.ori %lt3A_250, %ge3A_251 : vector<16xi1>
        %select_n3A_252 = arith.select %or3A, %broadcast_in_dim3A_87, %sub3A_249 : vector<16xi1>, vector<16xi32>
        %swap3A = arith.constant 2 : i32
        %swap3A_253 = arith.index_cast %swap3A : i32 to index
        %swap3A_254 = arith.constant 0 : index
        %swap3A_255 = tpu.vector_load %arg10[%swap3A_253, %swap3A_254] {strides = array<i32>} : memref<4x80xi32, #tpu.memory_space<vmem>>, vector<1x16xi32>,
        %swap3A_256 = vector.shape_cast %swap3A_255 : vector<1x16xi32> to vector<16xi32>
        %swap3A_257 = vector.shape_cast %select_n3A_252 : vector<16xi32> to vector<1x16xi32>
        tpu.vector_store %arg10[%swap3A_253, %swap3A_254], %swap3A_257 {strides = array<i32>} : memref<4x80xi32, #tpu.memory_space<vmem>>, vector<1x16xi32>,
        %get3A_258 = arith.constant 2 : i32
        %get3A_259 = arith.index_cast %get3A_258 : i32 to index
        %get3A_260 = arith.constant 16 : index
        %get3A_261 = tpu.vector_load %arg10[%get3A_259, %get3A_260] {strides = array<i32>} : memref<4x80xi32, #tpu.memory_space<vmem>>, vector<1x16xi32>,
        %get3A_262 = vector.shape_cast %get3A_261 : vector<1x16xi32> to vector<16xi32>
        %sub3A_263 = vector.broadcast %mul3A_98 : i32 to vector<16xi32>
        %sub3A_264 = arith.subi %get3A_262, %sub3A_263 : vector<16xi32>
        %lt3A_265 = arith.cmpi slt, %sub3A_264, %broadcast_in_dim3A_83 : vector<16xi32>
        %ge3A_266 = arith.cmpi sge, %sub3A_264, %broadcast_in_dim3A_85 : vector<16xi32>
        %or3A_267 = arith.ori %lt3A_265, %ge3A_266 : vector<16xi1>
        %select_n3A_268 = arith.select %or3A_267, %broadcast_in_dim3A_87, %sub3A_264 : vector<16xi1>, vector<16xi32>
        %swap3A_269 = arith.constant 2 : i32
        %swap3A_270 = arith.index_cast %swap3A_269 : i32 to index
        %swap3A_271 = arith.constant 16 : index
        %swap3A_272 = tpu.vector_load %arg10[%swap3A_270, %swap3A_271] {strides = array<i32>} : memref<4x80xi32, #tpu.memory_space<vmem>>, vector<1x16xi32>,
        %swap3A_273 = vector.shape_cast %swap3A_272 : vector<1x16xi32> to vector<16xi32>
        %swap3A_274 = vector.shape_cast %select_n3A_268 : vector<16xi32> to vector<1x16xi32>
        tpu.vector_store %arg10[%swap3A_270, %swap3A_271], %swap3A_274 {strides = array<i32>} : memref<4x80xi32, #tpu.memory_space<vmem>>, vector<1x16xi32>,
        %get3A_275 = arith.constant 2 : i32
        %get3A_276 = arith.index_cast %get3A_275 : i32 to index
        %get3A_277 = arith.constant 32 : index
        %get3A_278 = tpu.vector_load %arg10[%get3A_276, %get3A_277] {strides = array<i32>} : memref<4x80xi32, #tpu.memory_space<vmem>>, vector<1x16xi32>,
        %get3A_279 = vector.shape_cast %get3A_278 : vector<1x16xi32> to vector<16xi32>
        %sub3A_280 = vector.broadcast %mul3A_98 : i32 to vector<16xi32>
        %sub3A_281 = arith.subi %get3A_279, %sub3A_280 : vector<16xi32>
        %lt3A_282 = arith.cmpi slt, %sub3A_281, %broadcast_in_dim3A_83 : vector<16xi32>
        %ge3A_283 = arith.cmpi sge, %sub3A_281, %broadcast_in_dim3A_85 : vector<16xi32>
        %or3A_284 = arith.ori %lt3A_282, %ge3A_283 : vector<16xi1>
        %select_n3A_285 = arith.select %or3A_284, %broadcast_in_dim3A_87, %sub3A_281 : vector<16xi1>, vector<16xi32>
        %swap3A_286 = arith.constant 2 : i32
        %swap3A_287 = arith.index_cast %swap3A_286 : i32 to index
        %swap3A_288 = arith.constant 32 : index
        %swap3A_289 = tpu.vector_load %arg10[%swap3A_287, %swap3A_288] {strides = array<i32>} : memref<4x80xi32, #tpu.memory_space<vmem>>, vector<1x16xi32>,
        %swap3A_290 = vector.shape_cast %swap3A_289 : vector<1x16xi32> to vector<16xi32>
        %swap3A_291 = vector.shape_cast %select_n3A_285 : vector<16xi32> to vector<1x16xi32>
        tpu.vector_store %arg10[%swap3A_287, %swap3A_288], %swap3A_291 {strides = array<i32>} : memref<4x80xi32, #tpu.memory_space<vmem>>, vector<1x16xi32>,
        %get3A_292 = arith.constant 2 : i32
        %get3A_293 = arith.index_cast %get3A_292 : i32 to index
        %get3A_294 = arith.constant 48 : index
        %get3A_295 = tpu.vector_load %arg10[%get3A_293, %get3A_294] {strides = array<i32>} : memref<4x80xi32, #tpu.memory_space<vmem>>, vector<1x16xi32>,
        %get3A_296 = vector.shape_cast %get3A_295 : vector<1x16xi32> to vector<16xi32>
        %sub3A_297 = vector.broadcast %mul3A_98 : i32 to vector<16xi32>
        %sub3A_298 = arith.subi %get3A_296, %sub3A_297 : vector<16xi32>
        %lt3A_299 = arith.cmpi slt, %sub3A_298, %broadcast_in_dim3A_83 : vector<16xi32>
        %ge3A_300 = arith.cmpi sge, %sub3A_298, %broadcast_in_dim3A_85 : vector<16xi32>
        %or3A_301 = arith.ori %lt3A_299, %ge3A_300 : vector<16xi1>
        %select_n3A_302 = arith.select %or3A_301, %broadcast_in_dim3A_87, %sub3A_298 : vector<16xi1>, vector<16xi32>
        %swap3A_303 = arith.constant 2 : i32
        %swap3A_304 = arith.index_cast %swap3A_303 : i32 to index
        %swap3A_305 = arith.constant 48 : index
        %swap3A_306 = tpu.vector_load %arg10[%swap3A_304, %swap3A_305] {strides = array<i32>} : memref<4x80xi32, #tpu.memory_space<vmem>>, vector<1x16xi32>,
        %swap3A_307 = vector.shape_cast %swap3A_306 : vector<1x16xi32> to vector<16xi32>
        %swap3A_308 = vector.shape_cast %select_n3A_302 : vector<16xi32> to vector<1x16xi32>
        tpu.vector_store %arg10[%swap3A_304, %swap3A_305], %swap3A_308 {strides = array<i32>} : memref<4x80xi32, #tpu.memory_space<vmem>>, vector<1x16xi32>,
        %get3A_309 = arith.constant 2 : i32
        %get3A_310 = arith.index_cast %get3A_309 : i32 to index
        %get3A_311 = arith.constant 64 : index
        %get3A_312 = tpu.vector_load %arg10[%get3A_310, %get3A_311] {strides = array<i32>} : memref<4x80xi32, #tpu.memory_space<vmem>>, vector<1x16xi32>,
        %get3A_313 = vector.shape_cast %get3A_312 : vector<1x16xi32> to vector<16xi32>
        %sub3A_314 = vector.broadcast %mul3A_98 : i32 to vector<16xi32>
        %sub3A_315 = arith.subi %get3A_313, %sub3A_314 : vector<16xi32>
        %lt3A_316 = arith.cmpi slt, %sub3A_315, %broadcast_in_dim3A_83 : vector<16xi32>
        %ge3A_317 = arith.cmpi sge, %sub3A_315, %broadcast_in_dim3A_85 : vector<16xi32>
        %or3A_318 = arith.ori %lt3A_316, %ge3A_317 : vector<16xi1>
        %select_n3A_319 = arith.select %or3A_318, %broadcast_in_dim3A_87, %sub3A_315 : vector<16xi1>, vector<16xi32>
        %swap3A_320 = arith.constant 2 : i32
        %swap3A_321 = arith.index_cast %swap3A_320 : i32 to index
        %swap3A_322 = arith.constant 64 : index
        %swap3A_323 = tpu.vector_load %arg10[%swap3A_321, %swap3A_322] {strides = array<i32>} : memref<4x80xi32, #tpu.memory_space<vmem>>, vector<1x16xi32>,
        %swap3A_324 = vector.shape_cast %swap3A_323 : vector<1x16xi32> to vector<16xi32>
        %swap3A_325 = vector.shape_cast %select_n3A_319 : vector<16xi32> to vector<1x16xi32>
        tpu.vector_store %arg10[%swap3A_321, %swap3A_322], %swap3A_325 {strides = array<i32>} : memref<4x80xi32, #tpu.memory_space<vmem>>, vector<1x16xi32>,
        %dma_start3A = arith.constant 2 : i32
        %dma_start3A_326 = arith.constant 0 : i32
        %dma_start3A_327 = tpu.memref_slice %arg10[%dma_start3A, %dma_start3A_326] : memref<4x80xi32, #tpu.memory_space<vmem>> -> memref<1x80xi32, #tpu.memory_space<vmem>>
        %dma_start3A_328 = tpu.memref_squeeze %dma_start3A_327 : memref<1x80xi32, #tpu.memory_space<vmem>> -> memref<80xi32, #tpu.memory_space<vmem>>
        %dma_start3A_329 = arith.constant 0 : i32
        %dma_start3A_330 = arith.constant 0 : i32
        %dma_start3A_331 = tpu.memref_slice %arg12[%dma_start3A_329, %dma_start3A_330] : memref<5008x128xf32, #tpu.memory_space<vmem_shared>> -> memref<5008x128xf32, #tpu.memory_space<vmem_shared>>
        tpu.enqueue_indirect_dma source(%arg8 : memref<80x128xf32, #tpu.memory_space<vmem>>) target(%dma_start3A_331 : memref<5008x128xf32, #tpu.memory_space<vmem_shared>>) offsets(%dma_start3A_328 : memref<80xi32, #tpu.memory_space<vmem>>) semaphore(%arg16 : memref<!tpu.dma_semaphore, #tpu.memory_space<semaphore_mem>>) {add = true}
      } else {
      }
      %jit3A_200 = arith.constant 4 : i32
      %eq3A_201 = arith.constant 0 : i32
      %eq3A_202 = arith.cmpi eq, %jit3A_200, %eq3A_201 : i32
      %jit3A_203 = arith.constant 1 : i32
      %select_n3A_204 = arith.select %eq3A_202, %jit3A_203, %jit3A_200 : i32
      %rem3A_205 = arith.remsi %while3A_131, %select_n3A_204 : i32
      %ne3A_206 = arith.constant 0 : i32
      %ne3A_207 = arith.cmpi ne, %rem3A_205, %ne3A_206 : i32
      %lt3A_208 = arith.constant 0 : i32
      %lt3A_209 = arith.cmpi slt, %rem3A_205, %lt3A_208 : i32
      %lt3A_210 = arith.constant 0 : i32
      %lt3A_211 = arith.cmpi slt, %select_n3A_204, %lt3A_210 : i32
      %ne3A_212 = arith.xori %lt3A_209, %lt3A_211 : i1
      %and3A_213 = arith.andi %ne3A_212, %ne3A_207 : i1
      %add3A_214 = arith.addi %rem3A_205, %select_n3A_204 : i32
      %select_n3A_215 = arith.select %and3A_213, %add3A_214, %rem3A_205 : i32
      %eq3A_216 = arith.constant 3 : i32
      %eq3A_217 = arith.cmpi eq, %select_n3A_215, %eq3A_216 : i32
      %convert_element_type3A_218 = arith.extui %eq3A_217 : i1 to i32
      %cond3A_219 = arith.constant 0 : i32
      %cond3A_220 = arith.cmpi ne, %convert_element_type3A_218, %cond3A_219 : i32
      scf.if %cond3A_220 {
        %add3A_222 = arith.constant 2 : i32
        %add3A_223 = arith.addi %while3A_131, %add3A_222 : i32
        %lt3A_224 = arith.cmpi slt, %add3A_223, %max3A_71 : i32
        %convert_element_type3A_225 = arith.extui %lt3A_224 : i1 to i32
        %cond3A_226 = arith.constant 0 : i32
        %cond3A_227 = arith.cmpi ne, %convert_element_type3A_225, %cond3A_226 : i32
        scf.if %cond3A_227 {
          %add3A_332 = arith.constant 2 : i32
          %add3A_333 = arith.addi %while3A_131, %add3A_332 : i32
          %mul3A_334 = arith.constant 16 : i32
          %mul3A_335 = arith.muli %mul3A_334, %add3A_333 : i32
          %add3A_336 = arith.addi %add3A_72, %mul3A_335 : i32
          %mul3A_337 = arith.constant 80 : i32
          %mul3A_338 = arith.muli %add3A_336, %mul3A_337 : i32
          %dma_start3A_339 = arith.constant 0 : i32
          %dma_start3A_340 = tpu.memref_slice %arg3[%mul3A_338, %dma_start3A_339] : memref<320000x128xf32, #tpu.memory_space<hbm>> -> memref<80x128xf32, #tpu.memory_space<hbm>>
          %dma_start3A_341 = arith.constant 0 : i32
          %dma_start3A_342 = tpu.memref_slice %arg3[%mul3A_338, %dma_start3A_341] : memref<320000x128xf32, #tpu.memory_space<hbm>> -> memref<80x128xf32, #tpu.memory_space<hbm>>
          tpu.enqueue_dma source(%dma_start3A_342 : memref<80x128xf32, #tpu.memory_space<hbm>>) target(%arg7 : memref<80x128xf32, #tpu.memory_space<vmem>>) target_semaphore(%arg13 : memref<!tpu.dma_semaphore, #tpu.memory_space<semaphore_mem>>)
          %mul3A_343 = arith.constant 80 : i32
          %mul3A_344 = arith.muli %add3A_336, %mul3A_343 : i32
          %dma_start3A_345 = arith.constant 1 : i32
          %dma_start3A_346 = arith.constant 0 : i32
          %dma_start3A_347 = tpu.memref_slice %arg10[%dma_start3A_345, %dma_start3A_346] : memref<4x80xi32, #tpu.memory_space<vmem>> -> memref<1x80xi32, #tpu.memory_space<vmem>>
          %dma_start3A_348 = tpu.memref_squeeze %dma_start3A_347 : memref<1x80xi32, #tpu.memory_space<vmem>> -> memref<80xi32, #tpu.memory_space<vmem>>
          %dma_start3A_349 = tpu.memref_slice %arg4[%mul3A_344] : memref<320000xi32, #tpu.memory_space<hbm>> -> memref<80xi32, #tpu.memory_space<hbm>>
          %dma_start3A_350 = arith.constant 0 : i32
          %dma_start3A_351 = tpu.memref_slice %arg10[%dma_start3A_345, %dma_start3A_350] : memref<4x80xi32, #tpu.memory_space<vmem>> -> memref<1x80xi32, #tpu.memory_space<vmem>>
          %dma_start3A_352 = tpu.memref_squeeze %dma_start3A_351 : memref<1x80xi32, #tpu.memory_space<vmem>> -> memref<80xi32, #tpu.memory_space<vmem>>
          %dma_start3A_353 = tpu.memref_slice %arg4[%mul3A_344] : memref<320000xi32, #tpu.memory_space<hbm>> -> memref<80xi32, #tpu.memory_space<hbm>>
          tpu.enqueue_dma source(%dma_start3A_353 : memref<80xi32, #tpu.memory_space<hbm>>) target(%dma_start3A_352 : memref<80xi32, #tpu.memory_space<vmem>>) target_semaphore(%arg14 : memref<!tpu.dma_semaphore, #tpu.memory_space<semaphore_mem>>)
        } else {
        }
        %dma_wait3A = arith.constant 0 : i32
        %dma_wait3A_228 = arith.constant 0 : i32
        %dma_wait3A_229 = tpu.memref_slice %arg3[%dma_wait3A, %dma_wait3A_228] : memref<320000x128xf32, #tpu.memory_space<hbm>> -> memref<80x128xf32, #tpu.memory_space<hbm>>
        %dma_wait3A_230 = arith.constant 0 : i32
        %dma_wait3A_231 = arith.constant 0 : i32
        %dma_wait3A_232 = tpu.memref_slice %arg3[%dma_wait3A_230, %dma_wait3A_231] : memref<320000x128xf32, #tpu.memory_space<hbm>> -> memref<80x128xf32, #tpu.memory_space<hbm>>
        tpu.wait_dma2 semaphore(%arg13 : memref<!tpu.dma_semaphore, #tpu.memory_space<semaphore_mem>>) src(%dma_wait3A_232 : memref<80x128xf32, #tpu.memory_space<hbm>>) dst(%arg9 : memref<80x128xf32, #tpu.memory_space<vmem>>)
        %dma_wait3A_233 = arith.constant 3 : i32
        %dma_wait3A_234 = arith.constant 0 : i32
        %dma_wait3A_235 = tpu.memref_slice %arg10[%dma_wait3A_233, %dma_wait3A_234] : memref<4x80xi32, #tpu.memory_space<vmem>> -> memref<1x80xi32, #tpu.memory_space<vmem>>
        %dma_wait3A_236 = tpu.memref_squeeze %dma_wait3A_235 : memref<1x80xi32, #tpu.memory_space<vmem>> -> memref<80xi32, #tpu.memory_space<vmem>>
        %dma_wait3A_237 = arith.constant 0 : i32
        %dma_wait3A_238 = tpu.memref_slice %arg4[%dma_wait3A_237] : memref<320000xi32, #tpu.memory_space<hbm>> -> memref<80xi32, #tpu.memory_space<hbm>>
        %dma_wait3A_239 = arith.constant 0 : i32
        %dma_wait3A_240 = tpu.memref_slice %arg10[%dma_wait3A_233, %dma_wait3A_239] : memref<4x80xi32, #tpu.memory_space<vmem>> -> memref<1x80xi32, #tpu.memory_space<vmem>>
        %dma_wait3A_241 = tpu.memref_squeeze %dma_wait3A_240 : memref<1x80xi32, #tpu.memory_space<vmem>> -> memref<80xi32, #tpu.memory_space<vmem>>
        %dma_wait3A_242 = arith.constant 0 : i32
        %dma_wait3A_243 = tpu.memref_slice %arg4[%dma_wait3A_242] : memref<320000xi32, #tpu.memory_space<hbm>> -> memref<80xi32, #tpu.memory_space<hbm>>
        tpu.wait_dma2 semaphore(%arg14 : memref<!tpu.dma_semaphore, #tpu.memory_space<semaphore_mem>>) src(%dma_wait3A_243 : memref<80xi32, #tpu.memory_space<hbm>>) dst(%dma_wait3A_241 : memref<80xi32, #tpu.memory_space<vmem>>)
        %get3A = arith.constant 3 : i32
        %get3A_244 = arith.index_cast %get3A : i32 to index
        %get3A_245 = arith.constant 0 : index
        %get3A_246 = tpu.vector_load %arg10[%get3A_244, %get3A_245] {strides = array<i32>} : memref<4x80xi32, #tpu.memory_space<vmem>>, vector<1x16xi32>,
        %get3A_247 = vector.shape_cast %get3A_246 : vector<1x16xi32> to vector<16xi32>
        %sub3A_248 = vector.broadcast %mul3A_98 : i32 to vector<16xi32>
        %sub3A_249 = arith.subi %get3A_247, %sub3A_248 : vector<16xi32>
        %lt3A_250 = arith.cmpi slt, %sub3A_249, %broadcast_in_dim3A_83 : vector<16xi32>
        %ge3A_251 = arith.cmpi sge, %sub3A_249, %broadcast_in_dim3A_85 : vector<16xi32>
        %or3A = arith.ori %lt3A_250, %ge3A_251 : vector<16xi1>
        %select_n3A_252 = arith.select %or3A, %broadcast_in_dim3A_87, %sub3A_249 : vector<16xi1>, vector<16xi32>
        %swap3A = arith.constant 3 : i32
        %swap3A_253 = arith.index_cast %swap3A : i32 to index
        %swap3A_254 = arith.constant 0 : index
        %swap3A_255 = tpu.vector_load %arg10[%swap3A_253, %swap3A_254] {strides = array<i32>} : memref<4x80xi32, #tpu.memory_space<vmem>>, vector<1x16xi32>,
        %swap3A_256 = vector.shape_cast %swap3A_255 : vector<1x16xi32> to vector<16xi32>
        %swap3A_257 = vector.shape_cast %select_n3A_252 : vector<16xi32> to vector<1x16xi32>
        tpu.vector_store %arg10[%swap3A_253, %swap3A_254], %swap3A_257 {strides = array<i32>} : memref<4x80xi32, #tpu.memory_space<vmem>>, vector<1x16xi32>,
        %get3A_258 = arith.constant 3 : i32
        %get3A_259 = arith.index_cast %get3A_258 : i32 to index
        %get3A_260 = arith.constant 16 : index
        %get3A_261 = tpu.vector_load %arg10[%get3A_259, %get3A_260] {strides = array<i32>} : memref<4x80xi32, #tpu.memory_space<vmem>>, vector<1x16xi32>,
        %get3A_262 = vector.shape_cast %get3A_261 : vector<1x16xi32> to vector<16xi32>
        %sub3A_263 = vector.broadcast %mul3A_98 : i32 to vector<16xi32>
        %sub3A_264 = arith.subi %get3A_262, %sub3A_263 : vector<16xi32>
        %lt3A_265 = arith.cmpi slt, %sub3A_264, %broadcast_in_dim3A_83 : vector<16xi32>
        %ge3A_266 = arith.cmpi sge, %sub3A_264, %broadcast_in_dim3A_85 : vector<16xi32>
        %or3A_267 = arith.ori %lt3A_265, %ge3A_266 : vector<16xi1>
        %select_n3A_268 = arith.select %or3A_267, %broadcast_in_dim3A_87, %sub3A_264 : vector<16xi1>, vector<16xi32>
        %swap3A_269 = arith.constant 3 : i32
        %swap3A_270 = arith.index_cast %swap3A_269 : i32 to index
        %swap3A_271 = arith.constant 16 : index
        %swap3A_272 = tpu.vector_load %arg10[%swap3A_270, %swap3A_271] {strides = array<i32>} : memref<4x80xi32, #tpu.memory_space<vmem>>, vector<1x16xi32>,
        %swap3A_273 = vector.shape_cast %swap3A_272 : vector<1x16xi32> to vector<16xi32>
        %swap3A_274 = vector.shape_cast %select_n3A_268 : vector<16xi32> to vector<1x16xi32>
        tpu.vector_store %arg10[%swap3A_270, %swap3A_271], %swap3A_274 {strides = array<i32>} : memref<4x80xi32, #tpu.memory_space<vmem>>, vector<1x16xi32>,
        %get3A_275 = arith.constant 3 : i32
        %get3A_276 = arith.index_cast %get3A_275 : i32 to index
        %get3A_277 = arith.constant 32 : index
        %get3A_278 = tpu.vector_load %arg10[%get3A_276, %get3A_277] {strides = array<i32>} : memref<4x80xi32, #tpu.memory_space<vmem>>, vector<1x16xi32>,
        %get3A_279 = vector.shape_cast %get3A_278 : vector<1x16xi32> to vector<16xi32>
        %sub3A_280 = vector.broadcast %mul3A_98 : i32 to vector<16xi32>
        %sub3A_281 = arith.subi %get3A_279, %sub3A_280 : vector<16xi32>
        %lt3A_282 = arith.cmpi slt, %sub3A_281, %broadcast_in_dim3A_83 : vector<16xi32>
        %ge3A_283 = arith.cmpi sge, %sub3A_281, %broadcast_in_dim3A_85 : vector<16xi32>
        %or3A_284 = arith.ori %lt3A_282, %ge3A_283 : vector<16xi1>
        %select_n3A_285 = arith.select %or3A_284, %broadcast_in_dim3A_87, %sub3A_281 : vector<16xi1>, vector<16xi32>
        %swap3A_286 = arith.constant 3 : i32
        %swap3A_287 = arith.index_cast %swap3A_286 : i32 to index
        %swap3A_288 = arith.constant 32 : index
        %swap3A_289 = tpu.vector_load %arg10[%swap3A_287, %swap3A_288] {strides = array<i32>} : memref<4x80xi32, #tpu.memory_space<vmem>>, vector<1x16xi32>,
        %swap3A_290 = vector.shape_cast %swap3A_289 : vector<1x16xi32> to vector<16xi32>
        %swap3A_291 = vector.shape_cast %select_n3A_285 : vector<16xi32> to vector<1x16xi32>
        tpu.vector_store %arg10[%swap3A_287, %swap3A_288], %swap3A_291 {strides = array<i32>} : memref<4x80xi32, #tpu.memory_space<vmem>>, vector<1x16xi32>,
        %get3A_292 = arith.constant 3 : i32
        %get3A_293 = arith.index_cast %get3A_292 : i32 to index
        %get3A_294 = arith.constant 48 : index
        %get3A_295 = tpu.vector_load %arg10[%get3A_293, %get3A_294] {strides = array<i32>} : memref<4x80xi32, #tpu.memory_space<vmem>>, vector<1x16xi32>,
        %get3A_296 = vector.shape_cast %get3A_295 : vector<1x16xi32> to vector<16xi32>
        %sub3A_297 = vector.broadcast %mul3A_98 : i32 to vector<16xi32>
        %sub3A_298 = arith.subi %get3A_296, %sub3A_297 : vector<16xi32>
        %lt3A_299 = arith.cmpi slt, %sub3A_298, %broadcast_in_dim3A_83 : vector<16xi32>
        %ge3A_300 = arith.cmpi sge, %sub3A_298, %broadcast_in_dim3A_85 : vector<16xi32>
        %or3A_301 = arith.ori %lt3A_299, %ge3A_300 : vector<16xi1>
        %select_n3A_302 = arith.select %or3A_301, %broadcast_in_dim3A_87, %sub3A_298 : vector<16xi1>, vector<16xi32>
        %swap3A_303 = arith.constant 3 : i32
        %swap3A_304 = arith.index_cast %swap3A_303 : i32 to index
        %swap3A_305 = arith.constant 48 : index
        %swap3A_306 = tpu.vector_load %arg10[%swap3A_304, %swap3A_305] {strides = array<i32>} : memref<4x80xi32, #tpu.memory_space<vmem>>, vector<1x16xi32>,
        %swap3A_307 = vector.shape_cast %swap3A_306 : vector<1x16xi32> to vector<16xi32>
        %swap3A_308 = vector.shape_cast %select_n3A_302 : vector<16xi32> to vector<1x16xi32>
        tpu.vector_store %arg10[%swap3A_304, %swap3A_305], %swap3A_308 {strides = array<i32>} : memref<4x80xi32, #tpu.memory_space<vmem>>, vector<1x16xi32>,
        %get3A_309 = arith.constant 3 : i32
        %get3A_310 = arith.index_cast %get3A_309 : i32 to index
        %get3A_311 = arith.constant 64 : index
        %get3A_312 = tpu.vector_load %arg10[%get3A_310, %get3A_311] {strides = array<i32>} : memref<4x80xi32, #tpu.memory_space<vmem>>, vector<1x16xi32>,
        %get3A_313 = vector.shape_cast %get3A_312 : vector<1x16xi32> to vector<16xi32>
        %sub3A_314 = vector.broadcast %mul3A_98 : i32 to vector<16xi32>
        %sub3A_315 = arith.subi %get3A_313, %sub3A_314 : vector<16xi32>
        %lt3A_316 = arith.cmpi slt, %sub3A_315, %broadcast_in_dim3A_83 : vector<16xi32>
        %ge3A_317 = arith.cmpi sge, %sub3A_315, %broadcast_in_dim3A_85 : vector<16xi32>
        %or3A_318 = arith.ori %lt3A_316, %ge3A_317 : vector<16xi1>
        %select_n3A_319 = arith.select %or3A_318, %broadcast_in_dim3A_87, %sub3A_315 : vector<16xi1>, vector<16xi32>
        %swap3A_320 = arith.constant 3 : i32
        %swap3A_321 = arith.index_cast %swap3A_320 : i32 to index
        %swap3A_322 = arith.constant 64 : index
        %swap3A_323 = tpu.vector_load %arg10[%swap3A_321, %swap3A_322] {strides = array<i32>} : memref<4x80xi32, #tpu.memory_space<vmem>>, vector<1x16xi32>,
        %swap3A_324 = vector.shape_cast %swap3A_323 : vector<1x16xi32> to vector<16xi32>
        %swap3A_325 = vector.shape_cast %select_n3A_319 : vector<16xi32> to vector<1x16xi32>
        tpu.vector_store %arg10[%swap3A_321, %swap3A_322], %swap3A_325 {strides = array<i32>} : memref<4x80xi32, #tpu.memory_space<vmem>>, vector<1x16xi32>,
        %dma_start3A = arith.constant 3 : i32
        %dma_start3A_326 = arith.constant 0 : i32
        %dma_start3A_327 = tpu.memref_slice %arg10[%dma_start3A, %dma_start3A_326] : memref<4x80xi32, #tpu.memory_space<vmem>> -> memref<1x80xi32, #tpu.memory_space<vmem>>
        %dma_start3A_328 = tpu.memref_squeeze %dma_start3A_327 : memref<1x80xi32, #tpu.memory_space<vmem>> -> memref<80xi32, #tpu.memory_space<vmem>>
        %dma_start3A_329 = arith.constant 0 : i32
        %dma_start3A_330 = arith.constant 0 : i32
        %dma_start3A_331 = tpu.memref_slice %arg12[%dma_start3A_329, %dma_start3A_330] : memref<5008x128xf32, #tpu.memory_space<vmem_shared>> -> memref<5008x128xf32, #tpu.memory_space<vmem_shared>>
        tpu.enqueue_indirect_dma source(%arg9 : memref<80x128xf32, #tpu.memory_space<vmem>>) target(%dma_start3A_331 : memref<5008x128xf32, #tpu.memory_space<vmem_shared>>) offsets(%dma_start3A_328 : memref<80xi32, #tpu.memory_space<vmem>>) semaphore(%arg16 : memref<!tpu.dma_semaphore, #tpu.memory_space<semaphore_mem>>) {add = true}
      } else {
      }
      %while3A_221 = arith.constant 0 : i32
      scf.yield %while3A_221 : i32
    }
    %gt3A_110 = arith.constant 0 : i32
    %gt3A_111 = arith.cmpi sgt, %max3A_71, %gt3A_110 : i32
    %convert_element_type3A_112 = arith.extui %gt3A_111 : i1 to i32
    %cond3A_113 = arith.constant 0 : i32
    %cond3A_114 = arith.cmpi ne, %convert_element_type3A_112, %cond3A_113 : i32
    scf.if %cond3A_114 {
      %dma_wait3A = arith.constant 0 : i32
      %dma_wait3A_131 = arith.constant 0 : i32
      %dma_wait3A_132 = tpu.memref_slice %arg3[%dma_wait3A, %dma_wait3A_131] : memref<320000x128xf32, #tpu.memory_space<hbm>> -> memref<80x128xf32, #tpu.memory_space<hbm>>
      %dma_wait3A_133 = arith.constant 0 : i32
      %dma_wait3A_134 = arith.constant 0 : i32
      %dma_wait3A_135 = tpu.memref_slice %arg3[%dma_wait3A_133, %dma_wait3A_134] : memref<320000x128xf32, #tpu.memory_space<hbm>> -> memref<80x128xf32, #tpu.memory_space<hbm>>
      tpu.wait_dma2 semaphore(%arg16 : memref<!tpu.dma_semaphore, #tpu.memory_space<semaphore_mem>>) src(%dma_wait3A_135 : memref<80x128xf32, #tpu.memory_space<hbm>>) dst(%arg6 : memref<80x128xf32, #tpu.memory_space<vmem>>)
    } else {
    }
    %gt3A_115 = arith.constant 1 : i32
    %gt3A_116 = arith.cmpi sgt, %max3A_71, %gt3A_115 : i32
    %convert_element_type3A_117 = arith.extui %gt3A_116 : i1 to i32
    %cond3A_118 = arith.constant 0 : i32
    %cond3A_119 = arith.cmpi ne, %convert_element_type3A_117, %cond3A_118 : i32
    scf.if %cond3A_119 {
      %dma_wait3A = arith.constant 0 : i32
      %dma_wait3A_131 = arith.constant 0 : i32
      %dma_wait3A_132 = tpu.memref_slice %arg3[%dma_wait3A, %dma_wait3A_131] : memref<320000x128xf32, #tpu.memory_space<hbm>> -> memref<80x128xf32, #tpu.memory_space<hbm>>
      %dma_wait3A_133 = arith.constant 0 : i32
      %dma_wait3A_134 = arith.constant 0 : i32
      %dma_wait3A_135 = tpu.memref_slice %arg3[%dma_wait3A_133, %dma_wait3A_134] : memref<320000x128xf32, #tpu.memory_space<hbm>> -> memref<80x128xf32, #tpu.memory_space<hbm>>
      tpu.wait_dma2 semaphore(%arg16 : memref<!tpu.dma_semaphore, #tpu.memory_space<semaphore_mem>>) src(%dma_wait3A_135 : memref<80x128xf32, #tpu.memory_space<hbm>>) dst(%arg6 : memref<80x128xf32, #tpu.memory_space<vmem>>)
    } else {
    }
    %barrier3A_120 = arith.constant 0 : index
    tpu.barrier barrier_id(%barrier3A_120)
    %lt3A_121 = arith.constant 15 : i32
    %lt3A_122 = arith.cmpi slt, %arg1, %lt3A_121 : i32
    %convert_element_type3A_123 = arith.extui %lt3A_122 : i1 to i32
    %cond3A_124 = arith.constant 0 : i32
    %cond3A_125 = arith.cmpi ne, %convert_element_type3A_123, %cond3A_124 : i32
    scf.if %cond3A_125 {
      %mul3A_131 = arith.constant 312 : i32
      %mul3A_132 = arith.muli %arg1, %mul3A_131 : i32
      %mul3A_133 = arith.constant 5000 : i32
      %mul3A_134 = arith.muli %arg0, %mul3A_133 : i32
      %mul3A_135 = arith.constant 312 : i32
      %mul3A_136 = arith.muli %arg1, %mul3A_135 : i32
      %add3A_137 = arith.addi %mul3A_134, %mul3A_136 : i32
      "tpu.region"() ({
        %run_scoped3A = tpu.sem_alloc : memref<!tpu.dma_semaphore, #tpu.memory_space<semaphore_mem>>
        %dma_start3A = arith.constant 0 : i32
        %dma_start3A_138 = tpu.memref_slice %arg5[%add3A_137, %dma_start3A] : memref<10000x128xf32, #tpu.memory_space<hbm>> -> memref<312x128xf32, #tpu.memory_space<hbm>>
        %dma_start3A_139 = arith.constant 0 : i32
        %dma_start3A_140 = tpu.memref_slice %arg12[%mul3A_132, %dma_start3A_139] : memref<5008x128xf32, #tpu.memory_space<vmem_shared>> -> memref<312x128xf32, #tpu.memory_space<vmem_shared>>
        tpu.enqueue_dma source(%dma_start3A_140 : memref<312x128xf32, #tpu.memory_space<vmem_shared>>) target(%dma_start3A_138 : memref<312x128xf32, #tpu.memory_space<hbm>>) target_semaphore(%run_scoped3A : memref<!tpu.dma_semaphore, #tpu.memory_space<semaphore_mem>>)
        %dma_wait3A = arith.constant 0 : i32
        %dma_wait3A_141 = tpu.memref_slice %arg5[%add3A_137, %dma_wait3A] : memref<10000x128xf32, #tpu.memory_space<hbm>> -> memref<312x128xf32, #tpu.memory_space<hbm>>
        %dma_wait3A_142 = arith.constant 0 : i32
        %dma_wait3A_143 = tpu.memref_slice %arg12[%mul3A_132, %dma_wait3A_142] : memref<5008x128xf32, #tpu.memory_space<vmem_shared>> -> memref<312x128xf32, #tpu.memory_space<vmem_shared>>
        tpu.wait_dma2 semaphore(%run_scoped3A : memref<!tpu.dma_semaphore, #tpu.memory_space<semaphore_mem>>) src(%dma_wait3A_143 : memref<312x128xf32, #tpu.memory_space<vmem_shared>>) dst(%dma_wait3A_141 : memref<312x128xf32, #tpu.memory_space<hbm>>)
        tpu.yield
      }) : () -> ()
    } else {
    }
    %eq3A_126 = arith.constant 15 : i32
    %eq3A_127 = arith.cmpi eq, %arg1, %eq3A_126 : i32
    %convert_element_type3A_128 = arith.extui %eq3A_127 : i1 to i32
    %cond3A_129 = arith.constant 0 : i32
    %cond3A_130 = arith.cmpi ne, %convert_element_type3A_128, %cond3A_129 : i32
    scf.if %cond3A_130 {
      %mul3A_131 = arith.constant 5000 : i32
      %mul3A_132 = arith.muli %arg0, %mul3A_131 : i32
      %add3A_133 = arith.constant 4680 : i32
      %add3A_134 = arith.addi %mul3A_132, %add3A_133 : i32
      "tpu.region"() ({
        %run_scoped3A = tpu.sem_alloc : memref<!tpu.dma_semaphore, #tpu.memory_space<semaphore_mem>>
        %dma_start3A = arith.constant 0 : i32
        %dma_start3A_135 = tpu.memref_slice %arg5[%add3A_134, %dma_start3A] : memref<10000x128xf32, #tpu.memory_space<hbm>> -> memref<320x128xf32, #tpu.memory_space<hbm>>
        %dma_start3A_136 = arith.constant 4680 : i32
        %dma_start3A_137 = arith.constant 0 : i32
        %dma_start3A_138 = tpu.memref_slice %arg12[%dma_start3A_136, %dma_start3A_137] : memref<5008x128xf32, #tpu.memory_space<vmem_shared>> -> memref<320x128xf32, #tpu.memory_space<vmem_shared>>
        tpu.enqueue_dma source(%dma_start3A_138 : memref<320x128xf32, #tpu.memory_space<vmem_shared>>) target(%dma_start3A_135 : memref<320x128xf32, #tpu.memory_space<hbm>>) target_semaphore(%run_scoped3A : memref<!tpu.dma_semaphore, #tpu.memory_space<semaphore_mem>>)
        %dma_wait3A = arith.constant 0 : i32
        %dma_wait3A_139 = tpu.memref_slice %arg5[%add3A_134, %dma_wait3A] : memref<10000x128xf32, #tpu.memory_space<hbm>> -> memref<320x128xf32, #tpu.memory_space<hbm>>
        %dma_wait3A_140 = arith.constant 4680 : i32
        %dma_wait3A_141 = arith.constant 0 : i32
        %dma_wait3A_142 = tpu.memref_slice %arg12[%dma_wait3A_140, %dma_wait3A_141] : memref<5008x128xf32, #tpu.memory_space<vmem_shared>> -> memref<320x128xf32, #tpu.memory_space<vmem_shared>>
        tpu.wait_dma2 semaphore(%run_scoped3A : memref<!tpu.dma_semaphore, #tpu.memory_space<semaphore_mem>>) src(%dma_wait3A_142 : memref<320x128xf32, #tpu.memory_space<vmem_shared>>) dst(%dma_wait3A_139 : memref<320x128xf32, #tpu.memory_space<hbm>>)
        tpu.yield
      }) : () -> ()
    } else {
    }
    return
  }
}

</mosaic_0001>

<sc_bundles>
// kernel: kernel.3.cloned.1.call-start
scs
__scs_entry_jumppad:
0x0: {  	(pc) =	sbr.rel $0x88, $3  }
0x1: {  	(tag) =	ssettag $0x0;
	lr =	simm.s32 $0x1  }
0x2: {  	[smem:$0x3F9E] =	sst lr;
	_ =	strace $0xD0000000  }
0x3: {  	_ = 	snop  }
0x4: {  	_ = 	snop  }
0x5: {  	_ = 	snop  }
0x6: {  	_ = 	snop  }
0x7: {  	_ = 	snop  }
__scs_overlays_trampoline_lowered:
0x8: {  	[smem:$0x3FAD] =	sst s0  }
0x9: {  	[smem:$0x3FAE] =	sst s1  }
0xa: {  	[smem:$0x3FAF] =	sst s2  }
0xb: {  	[smem:$0x3FB0] =	sst s3  }
0xc: {  	[smem:$0x3FB1] =	sst s4  }
0xd: {  	[smem:$0x3FB2] =	sst s5  }
0xe: {  	[smem:$0x3FB3] =	sst s6  }
0xf: {  	[smem:$0x3FB4] =	sst s7  }
0x10: {  	[smem:$0x3FB5] =	sst s8  }
0x11: {  	[smem:$0x3FB6] =	sst s9;
	s0 =	simm.s32 @!p0 $0x0  }
0x12: {  	s1 =	sld [smem:$0x3F9C];
	s0 =	simm.s32 @p0 $0x1  }
0x13: {  	[smem:$0x3FB7] =	sst s0;
	s0 =	simm.s32 @!p1 $0x0  }
0x14: {  	s2 =	sld [smem:$0x3F9B];
	s0 =	simm.s32 @p1 $0x1  }
0x15: {  	[smem:$0x3FB8] =	sst s0;
	s0 =	simm.s32 @!p2 $0x0  }
0x16: {  	s3 =	sld [smem:$0x3FDB];
	s0 =	simm.s32 @p2 $0x1  }
0x17: {  	s4 =	simm.s32 $0x1BF5;
	[smem:$0x3FBA] =	sst s0  }
0x18: {  	s0 =	sld [smem:$0x3F9D];
	_ =	swait.ge [sflag:s4], $0x0  }
0x19: {  	s7 =	sld [smem:$0x3F9E]  }
0x1a: {  	s8 =	sadd.s32 $0xFFFFE003, lr  }
0x1b: {  	s9 =	sadd.s32 $0xFFFFFEF7, lr;
	s5 =	simm.s32 $0xFFFFFFFF;
	p2 =	slt.u32 s8, $0xFFFFF086  }
0x1c: {  	p1 =	slt.u32 s9, $0xF7A;
	s5 =	simm.s32 @!p2 $0x0  }
0x1d: {  	s5 =	simm.s32 @p1 $0x1;
	p0 =	seq.s32 s7, s2  }
0x1e: {  	s7 =	smul.u32 @!p0 $0xF7A, s2;
	p2 =	seq.s32 @!p0 s5, $0x0  }
0x1f: {  	s9 =	smul.u32 $0xF7A, s1;
	s8 =	simm.s32 @!p0 $0x1BF5;
	p2 =	por !p2, p0  }
0x20: {  	[sflag:s8] =	ssyncset.s32 @!p0 $0xFFFFF086;
	s6 =	sadd.s32 @!p0 s3, s7;
	s7 =	simm.s32 @!p0 $0x108  }
0x21: {  	s3 =	sadd.s32 s3, s9;
	s6 =	sadd.s32 @!p0 $0x88, s6;
	s7 =	simm.s32 @p2 $0x1082  }
0x22: {  	[simem:s7], [sflag:s8] =	dma.local @!p0 [hbm:s6], $0xF7A  }
0x23: {  	s9 =	sor.u32 $0xD0000000, s2;
	s6 =	simm.s32 $0x108;
	_ =	swait.ge @!p0 [sflag:s8], $0x0  }
0x24: {  	s3 =	sadd.s32 $0x88, s3;
	s6 =	simm.s32 @!p1 $0x1082;
	[sflag:s4] =	ssyncset.s32 $0xFFFFF086  }
0x25: {  	[simem:s6], [sflag:s4] =	dma.local [hbm:s3], $0xF7A  }
0x26: {  	[smem:$0x3F9E] =	sst s1;
	(tag) =	ssettag s2;
	_ =	strace s9  }
0x27: {  	s1 =	sld [smem:$0x3FAE]  }
0x28: {  	s2 =	sld [smem:$0x3FAF]  }
0x29: {  	s4 =	sld [smem:$0x3FB1]  }
0x2a: {  	p0 =	seq.s32 s5, $0x0;
	s5 =	sld [smem:$0x3FB2]  }
0x2b: {  	s6 =	sld [smem:$0x3FB3]  }
0x2c: {  	s7 =	sld [smem:$0x3FB4]  }
0x2d: {  	s3 =	simm.s32 $0x108;
	s8 =	sld [smem:$0x3FB5]  }
0x2e: {  	s3 =	simm.s32 @!p0 $0x1082;
	s9 =	sld [smem:$0x3FB6]  }
0x2f: {  	lr =	sadd.s32 s0, s3;
	s0 =	sld [smem:$0x3FAD]  }
0x30: {  	s3 =	sld [smem:$0x3FB0]  }
0x31: {  	[smem:$0x3FB9] =	sst s10  }
0x32: {  	s10 =	sld [smem:$0x3FB7];
	_ =	sdelay $0x3  }
0x33: {  	p0 =	seq.s32 s10, $0x1;
	s10 =	sld [smem:$0x3FB9];
	_ =	sdelay $0x3  }
0x34: {  	[smem:$0x3FB9] =	sst s10  }
0x35: {  	s10 =	sld [smem:$0x3FB8];
	_ =	sdelay $0x3  }
0x36: {  	p1 =	seq.s32 s10, $0x1;
	s10 =	sld [smem:$0x3FB9];
	_ =	sdelay $0x3  }
0x37: {  	[smem:$0x3FB9] =	sst s10  }
0x38: {  	s10 =	sld [smem:$0x3FBA]  }
0x39: {  	_ = 	snop;
	(pc) =	sbr.ind lr, $3  }
0x3a: {  	_ = 	snop  }
0x3b: {  	_ = 	snop  }
0x3c: {  	p2 =	seq.s32 s10, $0x1;
	s10 =	sld [smem:$0x3FB9]  }
0x3d: {  	_ =	shalt  }
0x3e: {  	_ =	shalt  }
0x3f: {  	_ =	shalt  }
0x40: {  	_ =	shalt  }
0x41: {  	_ =	shalt  }
0x42: {  	_ =	shalt  }
0x43: {  	_ =	shalt  }
0x44: {  	_ =	shalt  }
0x45: {  	_ =	shalt  }
0x46: {  	_ =	shalt  }
0x47: {  	_ =	shalt  }
0x48: {  	_ =	shalt  }
0x49: {  	_ =	shalt  }
0x4a: {  	_ =	shalt  }
0x4b: {  	_ =	shalt  }
0x4c: {  	_ =	shalt  }
0x4d: {  	_ =	shalt  }
0x4e: {  	_ =	shalt  }
0x4f: {  	_ =	shalt  }
0x50: {  	_ =	shalt  }
0x51: {  	_ =	shalt  }
0x52: {  	_ =	shalt  }
0x53: {  	_ =	shalt  }
0x54: {  	_ =	shalt  }
0x55: {  	_ =	shalt  }
0x56: {  	_ =	shalt  }
0x57: {  	_ =	shalt  }
0x58: {  	_ =	shalt  }
0x59: {  	_ =	shalt  }
0x5a: {  	_ =	shalt  }
0x5b: {  	_ =	shalt  }
0x5c: {  	_ =	shalt  }
0x5d: {  	_ =	shalt  }
0x5e: {  	_ =	shalt  }
0x5f: {  	_ =	shalt  }
0x60: {  	_ =	shalt  }
0x61: {  	_ =	shalt  }
0x62: {  	_ =	shalt  }
0x63: {  	_ =	shalt  }
0x64: {  	_ =	shalt  }
0x65: {  	_ =	shalt  }
0x66: {  	_ =	shalt  }
0x67: {  	_ =	shalt  }
0x68: {  	_ =	shalt  }
0x69: {  	_ =	shalt  }
0x6a: {  	_ =	shalt  }
0x6b: {  	_ =	shalt  }
0x6c: {  	_ =	shalt  }
0x6d: {  	_ =	shalt  }
0x6e: {  	_ =	shalt  }
0x6f: {  	_ =	shalt  }
0x70: {  	_ =	shalt  }
0x71: {  	_ =	shalt  }
0x72: {  	_ =	shalt  }
0x73: {  	_ =	shalt  }
0x74: {  	_ =	shalt  }
0x75: {  	_ =	shalt  }
0x76: {  	_ =	shalt  }
0x77: {  	_ =	shalt  }
0x78: {  	_ =	shalt  }
0x79: {  	_ =	shalt  }
0x7a: {  	_ =	shalt  }
0x7b: {  	_ =	shalt  }
0x7c: {  	_ =	shalt  }
0x7d: {  	_ =	shalt  }
0x7e: {  	_ =	shalt  }
0x7f: {  	_ =	shalt  }
0x80: {  	_ =	shalt  }
0x81: {  	_ =	shalt  }
0x82: {  	_ =	shalt  }
0x83: {  	_ =	shalt  }
0x84: {  	_ =	shalt  }
0x85: {  	_ =	shalt  }
0x86: {  	_ =	shalt  }
0x87: {  	_ =	shalt  }
.Lfunc_end0:
.L_simem_size_0:
called_computation_lowered:
.L_overlay_start_0:
0x88: {  	s2 =	sld [smem:$0x3FD9]  }
0x89: {  	s3 =	sld [smem:$0x3FFE];
	_ =	sdelay $0x1  }
0x8a: {  	s1 =	srdreg.scid  }
0x8b: {  	s0 =	sand.u32 $0x1, s1  }
0x8c: {  	s18 =	sshll.u32 s0, $0xA;
	s2 =	sadd.s32 s3, s2  }
0x8d: {  	s2 =	sadd.s32 s2, s18  }
0x8e: {  	[smem:$0x3FC5] =	sst s2  }
0x8f: {  	_ = 	snop  }
0x90: {  	s2 =	sld [smem:$0x3FC9]  }
0x91: {  	s19 =	sld [smem:$0x3FC8]  }
0x92: {  	s4 =	sld [smem:$0x3FC7]  }
0x93: {  	s5 =	sld [smem:$0x3FD0];
	(tm) =	ssettm $0x1  }
0x94: {  	s6 =	sld [smem:$0x3FFB];
	_ =	sdelay $0x3  }
0x95: {  	_ =	strace s6  }
0x96: {  	s6 =	sld [smem:$0x3FFC];
	_ =	sdelay $0x3  }
0x97: {  	_ =	strace s6  }
0x98: {  	s6 =	sld [smem:$0x3FFD];
	_ =	sdelay $0x3  }
0x99: {  	_ =	strace s6  }
0x9a: {  	_ =	strace $0x8FFFFFFF  }
0x9b: {  	s20 =	sld [smem:$0x3FDB];
	_ =	sdelay $0x1  }
0x9c: {  	s7 =	simm.s32 $_scs_section_size  }
0x9d: {  	s8 =	simm.s32 $_size__tile_overlayer_lowered;
	s9 =	simm.s32 $_tile_overlayer_lowered  }
0x9e: {  	s23 =	simm.s32 $0x1BFF;
	s22 =	sshll.u32 s9, $0x1;
	s6 =	sadd.s32 s7, s20  }
0x9f: {  	s10 =	simm.s32 $0x0;
	s21 =	sshll.u32 s8, $0x1;
	s8 =	sadd.s32 s22, s6  }
0xa0: {  	[timem:s10], [sflag:s23] =	dma.local [hbm:s8], s21  }
0xa1: {  	_ =	swait.ge [sflag:s23], s21  }
0xa2: {  	s7 =	ssub.s32 $0x0, s21;
	[sflag:s23] =	ssyncset.done $0x0  }
0xa3: {  	[sflag:s23] =	ssyncadd.s32 s7;
	_ =	sdelay $0x1  }
0xa4: {  	s24 =	simm.s32 $0x1B8B  }
0xa5: {  	_ =	swait.ge [sflag:s24], $0x1  }
0xa6: {  	[sflag:s24] =	ssyncset.done $0x0  }
0xa7: {  	s25 =	simm.s32 $0x1B8E;
	[sflag:s24] =	ssyncadd.s32 $0xFFFFFFFF  }
0xa8: {  	s26 =	simm.s32 $execute0_lowered;
	[smem:$0x3FD2] =	sst s25  }
0xa9: {  	s7 =	sshll.u32 s26, $0x1;
	_ =	strace $0x80000046;
	[dreg:$0x1] =	wrdreg $0xFFFFFFFF  }
0xaa: {  	s28 =	simm.s32 $_size_execute0_lowered;
	s6 =	sadd.s32 s6, s7;
	[dreg:$0x0] =	wrdreg $0x0  }
0xab: {  	s7 =	sshll.u32 s28, $0x1;
	[dreg:$0x2] =	wrdreg s6  }
0xac: {  	[dreg:$0x3] =	wrdreg s7  }
0xad: {  	[dreg:$0x4] =	wrdreg $0xC0  }
0xae: {  	_ =	task [dreg:s10], $0x5FFFF  }
0xaf: {  	[dreg:$0x1] =	wrdreg $0xFFFFFFFF  }
0xb0: {  	[dreg:$0x0] =	wrdreg $0x60  }
0xb1: {  	[dreg:$0x2] =	wrdreg s2  }
0xb2: {  	[dreg:$0x3] =	wrdreg s19  }
0xb3: {  	[dreg:$0x4] =	wrdreg s4  }
0xb4: {  	[dreg:$0x5] =	wrdreg s5  }
0xb5: {  	[dreg:$0x6] =	wrdreg $0xA2800  }
0xb6: {  	[dreg:$0x7] =	wrdreg $0x9  }
0xb7: {  	_ =	task.clear_ibuf [dreg:s10], $0x8FFFF;
	_ =	strace $0x90000046  }
0xb8: {  	s29 =	simm.s32 $0x9;
	_ =	strace $0x80000048  }
0xb9: {  	_ =	swait.ge [sflag:s29], $0x1  }
0xba: {  	[sflag:s29] =	ssyncadd.s32 $0xFFFFFFFF  }
0xbb: {  	_ =	strace $0x90000048  }
0xbc: {  	_ =	sfence  }
0xbd: {  	s30 =	sld [smem:$0x0];
	_ =	sdelay $0x2  }
0xbe: {  	s31 =	sshll.u32 s1, $0xD;
	s1 =	sshrl.u32 s1, $0x2  }
0xbf: {  	s3 =	sand.u32 $0x4000, s31;
	s1 =	sadd.s32 s1, s30  }
0xc0: {  	s0 =	sor.u32 s3, s0;
	s1 =	sshll.u32 s1, $0x11  }
0xc1: {  	s0 =	sor.u32 s1, s0  }
0xc2: {  	s0 =	sadd.s32 $0x8F2B, s0  }
0xc3: {  	[sflag:s0] =	ssyncadd.remote.s32 $0x1  }
0xc4: {  	_ =	sfence.sel $0xFFFF  }
0xc5: {  	[dreg:$0x0] =	wrdreg $0xFFFFFFFF;
	(pc) =	sbr.abs _section_cstart, $3  }
0xc6: {  	[dreg:$0x1] =	wrdreg $0xFFFFFFFF  }
0xc7: {  	_ =	task.clear_ibuf [dreg:s10], $0x2FFFF;
	_ =	strace $0x9FFFFFFF  }
0xc8: {  	(tm) =	ssettm $0x7FFFFFFF  }
0xc9: {  	_ =	shalt  }
tec
execute0_lowered:
.L_overlay_start_1:
0x0: {  	(tag) =	ssettag $0x1  }
0x1: {  	s7 =	rddreg [dreg:$0x0]  }
0x2: {  	s1 =	rddreg [dreg:$0x1]  }
0x3: {  	s2 =	rddreg [dreg:$0x2];
	s3 =	srdreg.scid  }
0x4: {  	s0 =	stileid.u32;
	s9 =	rddreg [dreg:$0x3]  }
0x5: {  	s4 =	rddreg [dreg:$0x4];
	s6 =	smul.u32 $0x27000, s0  }
0x6: {  	s5 =	simm.s32 $0x0;
	s16 =	simm.s32 $0xA200;
	s10 =	smul.u32 $0x1380, s0  }
0x7: {  	s17 =	simm.s32 $0x5;
	s18 =	sand.u32 $0x1, s3;
	s26 =	smul.u32 $0x138, s0  }
0x8: {  	s20 =	simm.s32 $0x0;
	s3 =	rddreg [dreg:$0x5];
	s8 =	smul.u32 $0x13880, s18  }
0x9: {  	[smem:$0x7FF] =	sst s5;
	p0 =	seq.s32 s0, $0xF;
	s12 =	smul.u32 $0x9C400, s18  }
0xa: {  	s11 =	ssub.s32 $0x2, s18;
	_ =	strace $0x80000047;
	s19 =	smul.u32 $0x1388, s18  }
0xb: {  	p1 =	seq.s32 s18, $0x0;
	s13 =	sshrl.u32 s11, $0x1;
	s6 =	sshrl.u32 s6, $0x2  }
0xc: {  	s18 =	simm.s32 $0xA000;
	s11 =	ssub.s32 s11, s13;
	s15 =	sadd.s32 s6, s4  }
0xd: {  	s28 =	sadd.s32 s10, s8;
	s29 =	sshrl.u32 s12, $0x3;
	s31 =	sadd.s32 s26, s19  }
.Ltmp0:
0xe: {  	s13 =	sadd.s32 $0x92400, s4;
	s12 =	sshll.u32 @!p0 s0, $0x6;
	(pc) =	sbr.rel .LBB2_1-.Ltmp0, $4  }
0xf: {  	v0 =	vmov s19;
	s19 =	simm.s32 $0x4;
	s6 =	sadd.s32 s7, s28;
	s30 =	sadd.s32 $0x12480, s29  }
0x10: {  	s8 =	sshll.u32 s31, $0x4;
	s10 =	smax.u32 s11, $0x1;
	s11 =	sor.u32 $0x20, s0  }
0x11: {  	s13 =	sshrl.u32 @p0 s13, $0x3;
	s14 =	sor.u32 @!p0 $0x1C03, s12;
	s15 =	sshrl.u32 @!p0 s15, $0x3  }
0x12: {  	s7 =	sadd.s32 s7, s30;
	s8 =	sadd.s32 s9, s8;
	s9 =	sadd.s32 s9, s30  }
.LBB2_9:
0x13: {  	_ =	swait.ge [sflag:s19], $0x2800  }
0x14: {  	[sflag:s19] =	ssyncset.done $0x0  }
0x15: {  	s21 =	simm.s32 @!p2 $0x4;
	[sflag:s19] =	ssyncadd.s32 $0xFFFFD800  }
0x16: {  	_ =	swait.ge @!p2 [sflag:s21], $0x2800  }
0x17: {  	[sflag:s21] =	ssyncset.done @!p2 $0x0  }
0x18: {  	[sflag:s21] =	ssyncadd.s32 @!p2 $0xFFFFD800  }
.LBB2_10:
0x19: {  	[bflag:$0x0] =	sbarrier.arrive $0xFFFF;
	s21 =	simm.s32 @p0 $0x1FC5  }
0x1a: {  	[hbm:s9], [sflag:s21] =	dma.local @p0 [spmem:s13], $0x1400  }
0x1b: {  	s21 =	simm.s32 @p0 $0x5  }
0x1c: {  	_ =	swait.ge @p0 [sflag:s21], $0x1400  }
0x1d: {  	s20 =	sadd.s32 $0x1, s20;
	[sflag:s21] =	ssyncset.done @p0 $0x0  }
0x1e: {  	p2 =	sne.s32 s20, s10;
	[sflag:s21] =	ssyncadd.s32 @p0 $0xFFFFEC00;
	s21 =	sor.u32 @!p0 $0x1C05, s12  }
0x1f: {  	[hbm:s8], [sflag:s21] =	dma.local @!p0 [spmem:s15], $0x1380  }
.Ltmp1:
0x20: {  	_ = 	snop;
	(pc) =	sbr.rel @!p2 .LBB2_11-.Ltmp1, $4  }
0x21: {  	s21 =	simm.s32 @!p0 $0x5  }
0x22: {  	_ =	swait.ge @!p0 [sflag:s21], $0x1380  }
0x23: {  	[sflag:s21] =	ssyncset.done @!p0 $0x0  }
0x24: {  	[sflag:s21] =	ssyncadd.s32 @!p0 $0xFFFFEC80  }
.LBB2_1:
0x25: {  	s21 =	simm.s32 @p0 $0x1FC3;
	s31 =	simm.s32 $0x9C40  }
0x26: {  	[spmem:s13], [sflag:s21] =	dma.local @p0 [hbm:s7], $0x1400  }
0x27: {  	s21 =	sand.u32 $0x1, s31  }
0x28: {  	[spmem:s15], [sflag:s14] =	dma.local @!p0 [hbm:s6], $0x1380  }
0x29: {  	p2 =	por $0x0, $0x0;
	p3 =	seq.s32 s21, $0x1  }
0x2a: {  	p2 =	por !p2, !p3  }
0x2b: {  	s21 =	simm.s32 $0x1;
	p2 =	por !p2, !p2  }
0x2c: {  	s21 =	simm.s32 @!p2 $0x0  }
0x2d: {  	s22 =	ssub.s32 $0x4E20, s21  }
0x2e: {  	p2 =	slt.s32 s22, $0x9C3F  }
0x2f: {  	s22 =	simm.s32 @!p2 $0x9C3F  }
0x30: {  	s23 =	sshll.u32 s22, $0x3  }
0x31: {  	p2 =	slt.s32 s23, $0x4E1F0;
	s21 =	smov.u32 s23  }
0x32: {  	s21 =	simm.s32 @!p2 $0x4E1F0  }
0x33: {  	s21 =	sshrl.u32 s21, $0x3  }
0x34: {  	s21 =	sadd.s32 s2, s21  }
0x35: {  	[tilespmem:s16], [sflag:$0x5] =	stream.linear.gather [hbm4b:s21+s5], $0x10, $0x38;
	[tilespmem:$0x13F00] =	vst v63  }
0x36: {  	_ =	swait.ge [sflag:s17], $0x10  }
0x37: {  	[sflag:s17] =	ssyncset.done $0x0  }
0x38: {  	[sflag:s17] =	ssyncadd.s32 $0xFFFFFFF0  }
0x39: {  	v1 =	vld [tilespmem:$0xA200];
	_ =	sdelay $0x4  }
0x3a: {  	(v2sf) =	vpush v1, $0x0  }
0x3b: {  	(v2sf) =	vpush v1, $0x8;
	_ =	sdelay $0xd  }
0x3c: {  	s24 =	spop (v2sf)  }
0x3d: {  	p3 =	por $0x1, $0x1;
	p2 =	slt.s32 s23, $0x4E1F1;
	s26 =	spop (v2sf)  }
0x3e: {  	s25 =	sadd.s32 $0x1, s22;
	s23 =	simm.s32 $0xF;
	s26 =	smov.u32 @p2 s24  }
0x3f: {  	s21 =	simm.s32 $0x9C40;
	s24 =	simm.s32 $0x0;
	p4 =	slt.s32 s26, $0x1388  }
.LBB2_2:
0x40: {  	s26 =	smov.u32 s24  }
0x41: {  	p2 =	sne.s32 s23, $0x1;
	s22 =	smov.u32 @p4 s21;
	s26 =	smov.u32 @p4 s25  }
0x42: {  	s23 =	sadd.s32 $0xFFFFFFFF, s23;
	s21 =	smov.u32 @p3 s22;
	s24 =	smov.u32 @p3 s26  }
0x43: {  	s22 =	sadd.s32 s24, s21  }
0x44: {  	s25 =	sshrl.u32 s22, $0x1F;
	s26 =	sand.u32 $0x1, s22  }
0x45: {  	p3 =	slt.s32 s22, $0x1;
	s25 =	sadd.s32 s25, s22;
	p4 =	seq.s32 s26, $0x1  }
0x46: {  	p3 =	por !p3, !p4  }
0x47: {  	s22 =	sshra.s32 s25, $0x1;
	s25 =	simm.s32 $0x1;
	p3 =	por !p3, !p3  }
0x48: {  	s25 =	simm.s32 @!p3 $0x0  }
0x49: {  	s22 =	ssub.s32 s22, s25  }
0x4a: {  	p3 =	slt.s32 s22, $0x9C3F  }
0x4b: {  	s22 =	simm.s32 @!p3 $0x9C3F  }
0x4c: {  	s25 =	sshll.u32 s22, $0x3  }
0x4d: {  	p3 =	slt.s32 s25, $0x4E1F0;
	s26 =	smov.u32 s25  }
0x4e: {  	s26 =	simm.s32 @!p3 $0x4E1F0  }
0x4f: {  	s26 =	sshrl.u32 s26, $0x3  }
0x50: {  	s26 =	sadd.s32 s2, s26  }
0x51: {  	[tilespmem:s16], [sflag:$0x5] =	stream.linear.gather [hbm4b:s26+s5], $0x10, $0x38;
	[tilespmem:$0x13F00] =	vst v63  }
0x52: {  	_ =	swait.ge [sflag:s17], $0x10  }
0x53: {  	[sflag:s17] =	ssyncset.done $0x0  }
0x54: {  	[sflag:s17] =	ssyncadd.s32 $0xFFFFFFF0  }
0x55: {  	v1 =	vld [tilespmem:$0xA200];
	_ =	sdelay $0x4  }
0x56: {  	(v2sf) =	vpush v1, $0x0  }
0x57: {  	(v2sf) =	vpush v1, $0x8;
	_ =	sdelay $0xc  }
.Ltmp2:
0x58: {  	(pc) =	sbr.rel @p2 .LBB2_2-.Ltmp2, $4  }
0x59: {  	p3 =	slt.s32 s25, $0x4E1F1;
	s25 =	spop (v2sf)  }
0x5a: {  	s26 =	spop (v2sf)  }
0x5b: {  	s26 =	smov.u32 @p3 s25;
	s25 =	sadd.s32 $0x1, s22  }
0x5c: {  	p3 =	slt.s32 s24, s21;
	p4 =	slt.s32 s26, $0x1388  }
0x5d: {  	s21 =	smov.u32 s24  }
0x5e: {  	s21 =	smov.u32 @p4 s25  }
0x5f: {  	s24 =	smov.u32 @p3 s21  }
0x60: {  	s21 =	sshll.u32 s24, $0x3  }
0x61: {  	s21 =	sadd.s32 $0x4F, s21  }
0x62: {  	s22 =	smulhi.u32 $0x66666667, s21;
	s21 =	sshra.s32 s21, $0x1F  }
0x63: {  	s23 =	smul.u32 $0x66666667, s21;
	_ =	sdelay $0x1  }
0x64: {  	s22 =	sadd.s32 s23, s22  }
0x65: {  	s23 =	sshrl.u32 s22, $0x1F;
	s22 =	sshra.s32 s22, $0x5  }
0x66: {  	s22 =	sadd.s32 s23, s22  }
0x67: {  	s21 =	sadd.s32 s21, s22  }
0x68: {  	p2 =	sgt.s32 s21, $0x1;
	s22 =	smov.u32 s21  }
0x69: {  	s22 =	simm.s32 @!p2 $0x1  }
0x6a: {  	s22 =	sadd.s32 $0xFFFFFFFF, s22  }
0x6b: {  	s22 =	simm.s32 @p1 $0x0  }
0x6c: {  	s21 =	simm.s32 @!p1 $0xFA0;
	s23 =	sadd.s32 s0, s22  }
0x6d: {  	s21 =	ssub.s32 s21, s23  }
0x6e: {  	s28 =	sadd.s32 $0xF, s21  }
0x6f: {  	p5 =	slt.s32 s21, $0xFFFFFFF2;
	s29 =	sand.u32 $0xF, s28  }
0x70: {  	s21 =	simm.s32 @p0 $0x3;
	s30 =	sshra.s32 s28, $0x1F;
	p6 =	sne.s32 s29, $0x0  }
0x71: {  	_ =	swait.ge @p0 [sflag:s21], $0x1400;
	s25 =	sshrl.u32 s30, $0x1C;
	p2 =	por !p5, !p6  }
0x72: {  	s24 =	sadd.s32 s25, s28;
	s25 =	simm.s32 $0x1;
	p2 =	por !p2, !p2  }
0x73: {  	[sflag:s21] =	ssyncset.done @p0 $0x0;
	s31 =	sshra.s32 s24, $0x4;
	s25 =	simm.s32 @!p2 $0x0  }
0x74: {  	[sflag:s21] =	ssyncadd.s32 @p0 $0xFFFFEC00;
	s21 =	ssub.s32 s31, s25  }
0x75: {  	s26 =	simm.s32 @!p0 $0x3;
	p2 =	slt.s32 s21, $0x1  }
.Ltmp3:
0x76: {  	_ =	swait.ge @!p0 [sflag:s26], $0x1380;
	(pc) =	sbr.rel @p2 .LBB2_10-.Ltmp3, $3  }
0x77: {  	[sflag:s26] =	ssyncset.done @!p0 $0x0  }
0x78: {  	[sflag:s26] =	ssyncadd.s32 @!p0 $0xFFFFEC80  }
0x79: {  	[bflag:$0x0] =	sbarrier.arrive $0xFFFF;
	_ =	sdelay $0x1  }
0x7a: {  	s24 =	smul.u32 $0x2800, s23;
	_ =	sdelay $0x1  }
0x7b: {  	s30 =	smul.u32 $0xA, s23;
	p2 =	seq.s32 s21, $0x1;
	s24 =	sshrl.u32 s24, $0x3  }
0x7c: {  	s23 =	smul.u32 @!p2 $0x50, s23;
	s24 =	sadd.s32 s1, s24  }
0x7d: {  	[tilespmem:s5], [sflag:$0x1] =	stream.linear.gather [hbm4b:s24+s5], $0x2800, $0x38;
	[tilespmem:$0x13F00] =	vst v63  }
0x7e: {  	s31 =	sadd.s32 s22, s11;
	s23 =	sadd.s32 @!p2 $0x500, s23;
	s24 =	sadd.s32 s2, s30  }
0x7f: {  	[tilespmem:s18], [sflag:$0x2] =	stream.linear.gather [hbm4b:s24+s5], $0x50, $0x38;
	[tilespmem:$0x13F00] =	vst v63  }
0x80: {  	s25 =	simm.s32 @!p2 $0x0;
	s26 =	simm.s32 @!p2 $0x2800;
	s24 =	sshll.u32 @!p2 s23, $0x4  }
.Ltmp4:
0x81: {  	s23 =	sshrl.u32 @!p2 s23, $0x3;
	s24 =	sadd.s32 @!p2 s1, s24;
	(pc) =	sbr.rel .LBB2_5-.Ltmp4, $4  }
0x82: {  	[tilespmem:s26], [sflag:$0x1] =	stream.linear.gather @!p2 [hbm4b:s24+s25], $0x2800, $0x38;
	[tilespmem:$0x13F00] =	vst v63  }
0x83: {  	s22 =	smul.u32 $0x2800, s31;
	s23 =	sadd.s32 @!p2 s2, s23;
	s24 =	simm.s32 @!p2 $0xA080  }
0x84: {  	[tilespmem:s24], [sflag:$0x2] =	stream.linear.gather @!p2 [hbm4b:s23+s25], $0x50, $0x38;
	[tilespmem:$0x13F00] =	vst v63  }
0x85: {  	s23 =	smul.u32 $0x50, s31;
	s24 =	simm.s32 $0x0  }
.LBB2_7:
0x86: {  	p3 =	seq.s32 s25, $0x2  }
0x87: {  	p4 =	sle.s32 @p3 s21, s24  }
0x88: {  	p4 =	por p4, !p3  }
0x89: {  	s25 =	sshrl.u32 @!p4 s22, $0x3  }
0x8a: {  	s26 =	simm.s32 @!p4 $0x0;
	s25 =	sadd.s32 @!p4 s1, s25  }
0x8b: {  	[tilespmem:s26], [sflag:$0x1] =	stream.linear.gather @!p4 [hbm4b:s25+s26], $0x2800, $0x38;
	[tilespmem:$0x13F00] =	vst v63  }
0x8c: {  	s25 =	sshrl.u32 @!p4 s23, $0x3  }
0x8d: {  	s28 =	simm.s32 @!p4 $0xA000;
	s25 =	sadd.s32 @!p4 s2, s25  }
0x8e: {  	[tilespmem:s28], [sflag:$0x2] =	stream.linear.gather @!p4 [hbm4b:s25+s26], $0x50, $0x38;
	[tilespmem:$0x13F00] =	vst v63  }
0x8f: {  	s25 =	simm.s32 @p3 $0x1  }
0x90: {  	_ =	swait.ge @p3 [sflag:s25], $0x2800  }
0x91: {  	[sflag:s25] =	ssyncset.done @p3 $0x0  }
0x92: {  	[sflag:s25] =	ssyncadd.s32 @p3 $0xFFFFD800;
	s25 =	simm.s32 @p3 $0x2  }
0x93: {  	_ =	swait.ge @p3 [sflag:s25], $0x50  }
0x94: {  	[sflag:s25] =	ssyncset.done @p3 $0x0  }
0x95: {  	[sflag:s25] =	ssyncadd.s32 @p3 $0xFFFFFFB0  }
0x96: {  	v1 =	vld @p3 [tilespmem:$0xA100]  }
0x97: {  	v2 =	vld @p3 [tilespmem:$0xA110]  }
0x98: {  	v3 =	vld @p3 [tilespmem:$0xA120]  }
0x99: {  	v4 =	vld @p3 [tilespmem:$0xA130]  }
0x9a: {  	v5 =	vld @p3 [tilespmem:$0xA140]  }
0x9b: {  	v1 =	vsub.s32 @p3 v1, v0  }
0x9c: {  	v2 =	vsub.s32 @p3 v2, v0;
	v1 =	vmin.u32 @p3 v1, $0x1388  }
0x9d: {  	[tilespmem:$0xA100] =	vst @p3 v1;
	v1 =	vmin.u32 @p3 v2, $0x1388;
	v2 =	vsub.s32 @p3 v3, v0  }
0x9e: {  	[tilespmem:$0xA110] =	vst @p3 v1;
	v1 =	vmin.u32 @p3 v2, $0x1388;
	v2 =	vsub.s32 @p3 v4, v0  }
0x9f: {  	[tilespmem:$0xA120] =	vst @p3 v1;
	v1 =	vmin.u32 @p3 v2, $0x1388;
	v2 =	vsub.s32 @p3 v5, v0  }
0xa0: {  	s26 =	simm.s32 @p3 $0xA100;
	p4 =	sle.s32 @!p3 s21, s24;
	[tilespmem:$0xA130] =	vst @p3 v1;
	v1 =	vmin.u32 @p3 v2, $0x1388  }
0xa1: {  	s28 =	simm.s32 @p3 $0x5000;
	p4 =	por p4, p3;
	s25 =	simm.s32 @p3 $0x50;
	[tilespmem:$0xA140] =	vst @p3 v1  }
0xa2: {  	[spmem:s4] =	stream.indirect.scatter.add.f32 @p3 [tilespmem:s28], [sflag:$0x4], $0x80, s26, s25, $0xb8;
	[tilespmem:$0x13F00] =	vst v63  }
0xa3: {  	s25 =	sshrl.u32 @!p4 s22, $0x3  }
0xa4: {  	s26 =	simm.s32 @!p4 $0x0;
	s28 =	simm.s32 @!p4 $0x2800;
	s25 =	sadd.s32 @!p4 s1, s25  }
0xa5: {  	[tilespmem:s28], [sflag:$0x1] =	stream.linear.gather @!p4 [hbm4b:s25+s26], $0x2800, $0x38;
	[tilespmem:$0x13F00] =	vst v63  }
0xa6: {  	s25 =	sshrl.u32 @!p4 s23, $0x3  }
0xa7: {  	s28 =	simm.s32 @!p4 $0xA080;
	s25 =	sadd.s32 @!p4 s2, s25  }
0xa8: {  	[tilespmem:s28], [sflag:$0x2] =	stream.linear.gather @!p4 [hbm4b:s25+s26], $0x50, $0x38;
	[tilespmem:$0x13F00] =	vst v63  }
0xa9: {  	s25 =	simm.s32 @!p3 $0x1  }
0xaa: {  	_ =	swait.ge @!p3 [sflag:s25], $0x2800  }
0xab: {  	[sflag:s25] =	ssyncset.done @!p3 $0x0  }
0xac: {  	[sflag:s25] =	ssyncadd.s32 @!p3 $0xFFFFD800;
	s25 =	simm.s32 @!p3 $0x2  }
0xad: {  	_ =	swait.ge @!p3 [sflag:s25], $0x50  }
0xae: {  	[sflag:s25] =	ssyncset.done @!p3 $0x0  }
0xaf: {  	[sflag:s25] =	ssyncadd.s32 @!p3 $0xFFFFFFB0  }
0xb0: {  	v1 =	vld @!p3 [tilespmem:$0xA180]  }
0xb1: {  	v2 =	vld @!p3 [tilespmem:$0xA190]  }
0xb2: {  	v3 =	vld @!p3 [tilespmem:$0xA1A0]  }
0xb3: {  	v4 =	vld @!p3 [tilespmem:$0xA1B0]  }
0xb4: {  	v5 =	vld @!p3 [tilespmem:$0xA1C0]  }
0xb5: {  	v1 =	vsub.s32 @!p3 v1, v0  }
0xb6: {  	v2 =	vsub.s32 @!p3 v2, v0;
	v1 =	vmin.u32 @!p3 v1, $0x1388  }
0xb7: {  	[tilespmem:$0xA180] =	vst @!p3 v1;
	v1 =	vmin.u32 @!p3 v2, $0x1388;
	v2 =	vsub.s32 @!p3 v3, v0  }
0xb8: {  	[tilespmem:$0xA190] =	vst @!p3 v1;
	v1 =	vmin.u32 @!p3 v2, $0x1388;
	v2 =	vsub.s32 @!p3 v4, v0  }
0xb9: {  	[tilespmem:$0xA1A0] =	vst @!p3 v1;
	v1 =	vmin.u32 @!p3 v2, $0x1388;
	v2 =	vsub.s32 @!p3 v5, v0  }
0xba: {  	[tilespmem:$0xA1B0] =	vst @!p3 v1;
	v1 =	vmin.u32 @!p3 v2, $0x1388  }
0xbb: {  	s26 =	simm.s32 @!p3 $0xA180;
	s28 =	simm.s32 @!p3 $0x7800;
	s25 =	simm.s32 @!p3 $0x50;
	[tilespmem:$0xA1C0] =	vst @!p3 v1  }
0xbc: {  	[spmem:s4] =	stream.indirect.scatter.add.f32 @!p3 [tilespmem:s28], [sflag:$0x4], $0x80, s26, s25, $0xb8;
	[tilespmem:$0x13F00] =	vst v63  }
.LBB2_8:
0xbd: {  	s24 =	sadd.s32 $0xFFFFFFFF, s24  }
0xbe: {  	p3 =	sne.s32 s24, s21  }
.Ltmp5:
0xbf: {  	_ = 	snop;
	(pc) =	sbr.rel @!p3 .LBB2_9-.Ltmp5, $2  }
0xc0: {  	_ =	sdelay $0x2  }
0xc1: {  	s22 =	sadd.s32 $0x28000, s22;
	s23 =	sadd.s32 $0x500, s23  }
.LBB2_5:
0xc2: {  	s25 =	sand.u32 $0x3, s24  }
0xc3: {  	p4 =	sgt.s32 s25, $0x1  }
.Ltmp6:
0xc4: {  	p3 =	slt.u32 s24, $0x2;
	(pc) =	sbr.rel @p4 .LBB2_7-.Ltmp6, $4  }
0xc5: {  	s26 =	simm.s32 @!p3 $0x4  }
0xc6: {  	_ =	swait.ge @!p3 [sflag:s26], $0x2800  }
0xc7: {  	[sflag:s26] =	ssyncset.done @!p3 $0x0  }
0xc8: {  	s24 =	sadd.s32 $0x2, s24;
	[sflag:s26] =	ssyncadd.s32 @!p3 $0xFFFFD800  }
0xc9: {  	p3 =	seq.s32 s25, $0x0  }
0xca: {  	p4 =	sle.s32 @p3 s21, s24  }
0xcb: {  	p4 =	por p4, !p3  }
0xcc: {  	s25 =	sshrl.u32 @!p4 s22, $0x3  }
0xcd: {  	s26 =	simm.s32 @!p4 $0x0;
	s28 =	simm.s32 @!p4 $0x5000;
	s25 =	sadd.s32 @!p4 s1, s25  }
0xce: {  	[tilespmem:s28], [sflag:$0x1] =	stream.linear.gather @!p4 [hbm4b:s25+s26], $0x2800, $0x38;
	[tilespmem:$0x13F00] =	vst v63  }
0xcf: {  	s25 =	sshrl.u32 @!p4 s23, $0x3  }
0xd0: {  	s28 =	simm.s32 @!p4 $0xA100;
	s25 =	sadd.s32 @!p4 s2, s25  }
0xd1: {  	[tilespmem:s28], [sflag:$0x2] =	stream.linear.gather @!p4 [hbm4b:s25+s26], $0x50, $0x38;
	[tilespmem:$0x13F00] =	vst v63  }
0xd2: {  	s25 =	simm.s32 @p3 $0x1  }
0xd3: {  	_ =	swait.ge @p3 [sflag:s25], $0x2800  }
0xd4: {  	[sflag:s25] =	ssyncset.done @p3 $0x0  }
0xd5: {  	[sflag:s25] =	ssyncadd.s32 @p3 $0xFFFFD800;
	s25 =	simm.s32 @p3 $0x2  }
0xd6: {  	_ =	swait.ge @p3 [sflag:s25], $0x50  }
0xd7: {  	[sflag:s25] =	ssyncset.done @p3 $0x0  }
0xd8: {  	[sflag:s25] =	ssyncadd.s32 @p3 $0xFFFFFFB0  }
0xd9: {  	v1 =	vld @p3 [tilespmem:$0xA000]  }
0xda: {  	v2 =	vld @p3 [tilespmem:$0xA010]  }
0xdb: {  	v3 =	vld @p3 [tilespmem:$0xA020]  }
0xdc: {  	v4 =	vld @p3 [tilespmem:$0xA030]  }
0xdd: {  	v5 =	vld @p3 [tilespmem:$0xA040]  }
0xde: {  	v1 =	vsub.s32 @p3 v1, v0  }
0xdf: {  	v2 =	vsub.s32 @p3 v2, v0;
	v1 =	vmin.u32 @p3 v1, $0x1388  }
0xe0: {  	[tilespmem:$0xA000] =	vst @p3 v1;
	v1 =	vmin.u32 @p3 v2, $0x1388;
	v2 =	vsub.s32 @p3 v3, v0  }
0xe1: {  	[tilespmem:$0xA010] =	vst @p3 v1;
	v1 =	vmin.u32 @p3 v2, $0x1388;
	v2 =	vsub.s32 @p3 v4, v0  }
0xe2: {  	[tilespmem:$0xA020] =	vst @p3 v1;
	v1 =	vmin.u32 @p3 v2, $0x1388;
	v2 =	vsub.s32 @p3 v5, v0  }
0xe3: {  	s26 =	simm.s32 @p3 $0xA000;
	p4 =	sle.s32 @!p3 s21, s24;
	[tilespmem:$0xA030] =	vst @p3 v1;
	v1 =	vmin.u32 @p3 v2, $0x1388  }
0xe4: {  	s28 =	simm.s32 @p3 $0x0;
	p4 =	por p4, p3;
	s25 =	simm.s32 @p3 $0x50;
	[tilespmem:$0xA040] =	vst @p3 v1  }
0xe5: {  	[spmem:s4] =	stream.indirect.scatter.add.f32 @p3 [tilespmem:s28], [sflag:$0x4], $0x80, s26, s25, $0xb8;
	[tilespmem:$0x13F00] =	vst v63  }
0xe6: {  	s25 =	sshrl.u32 @!p4 s22, $0x3  }
0xe7: {  	s26 =	simm.s32 @!p4 $0x0;
	s28 =	simm.s32 @!p4 $0x7800;
	s25 =	sadd.s32 @!p4 s1, s25  }
0xe8: {  	[tilespmem:s28], [sflag:$0x1] =	stream.linear.gather @!p4 [hbm4b:s25+s26], $0x2800, $0x38;
	[tilespmem:$0x13F00] =	vst v63  }
0xe9: {  	s25 =	sshrl.u32 @!p4 s23, $0x3  }
0xea: {  	s28 =	simm.s32 @!p4 $0xA180;
	s25 =	sadd.s32 @!p4 s2, s25  }
0xeb: {  	[tilespmem:s28], [sflag:$0x2] =	stream.linear.gather @!p4 [hbm4b:s25+s26], $0x50, $0x38;
	[tilespmem:$0x13F00] =	vst v63  }
0xec: {  	s25 =	simm.s32 @!p3 $0x1  }
0xed: {  	_ =	swait.ge @!p3 [sflag:s25], $0x2800  }
0xee: {  	[sflag:s25] =	ssyncset.done @!p3 $0x0  }
0xef: {  	[sflag:s25] =	ssyncadd.s32 @!p3 $0xFFFFD800;
	s25 =	simm.s32 @!p3 $0x2  }
0xf0: {  	_ =	swait.ge @!p3 [sflag:s25], $0x50  }
0xf1: {  	[sflag:s25] =	ssyncset.done @!p3 $0x0  }
0xf2: {  	[sflag:s25] =	ssyncadd.s32 @!p3 $0xFFFFFFB0  }
0xf3: {  	v1 =	vld @!p3 [tilespmem:$0xA080]  }
0xf4: {  	v2 =	vld @!p3 [tilespmem:$0xA090]  }
0xf5: {  	v3 =	vld @!p3 [tilespmem:$0xA0A0]  }
0xf6: {  	v4 =	vld @!p3 [tilespmem:$0xA0B0]  }
0xf7: {  	v5 =	vld @!p3 [tilespmem:$0xA0C0]  }
0xf8: {  	v1 =	vsub.s32 @!p3 v1, v0  }
0xf9: {  	v2 =	vsub.s32 @!p3 v2, v0;
	v1 =	vmin.u32 @!p3 v1, $0x1388  }
0xfa: {  	[tilespmem:$0xA080] =	vst @!p3 v1;
	v1 =	vmin.u32 @!p3 v2, $0x1388;
	v2 =	vsub.s32 @!p3 v3, v0  }
.Ltmp7:
0xfb: {  	[tilespmem:$0xA090] =	vst @!p3 v1;
	v1 =	vmin.u32 @!p3 v2, $0x1388;
	v2 =	vsub.s32 @!p3 v4, v0;
	(pc) =	sbr.rel .LBB2_8-.Ltmp7, $4  }
0xfc: {  	[tilespmem:$0xA0A0] =	vst @!p3 v1;
	v1 =	vmin.u32 @!p3 v2, $0x1388;
	v2 =	vsub.s32 @!p3 v5, v0  }
0xfd: {  	[tilespmem:$0xA0B0] =	vst @!p3 v1;
	v1 =	vmin.u32 @!p3 v2, $0x1388  }
0xfe: {  	s26 =	simm.s32 @!p3 $0xA080;
	s28 =	simm.s32 @!p3 $0x2800;
	s25 =	simm.s32 @!p3 $0x50;
	[tilespmem:$0xA0C0] =	vst @!p3 v1  }
0xff: {  	[spmem:s4] =	stream.indirect.scatter.add.f32 @!p3 [tilespmem:s28], [sflag:$0x4], $0x80, s26, s25, $0xb8;
	[tilespmem:$0x13F00] =	vst v63  }
.LBB2_11:
0x100: {  	_ =	sfence.sel $0x180000  }
0x101: {  	[bflag:$0x0] =	sbarrier.arrive $0xFFFF  }
0x102: {  	p0 =	sne.s32 s0, $0x0;
	_ =	strace $0x90000047  }
0x103: {  	s0 =	sadd.s32 @!p0 $0x100000, s3;
	[bflag:$0x2] =	sbarrier.arrive $0xFFFF  }
0x104: {  	[sflag:s0] =	ssyncadd.tile.s32 @!p0 $0x1;
	_ =	shalt  }
.Lfunc_end2:
_tile_overlayer_lowered:
.L_overlay_start_2:
0x105: {  	(tag) =	ssettag $0x2  }
0x106: {  	s0 =	rddreg [dreg:$0x0];
	s2 =	stileid.u32  }
0x107: {  	s1 =	rddreg [dreg:$0x1];
	p0 =	sne.s32 s2, $0x0  }
0x108: {  	s3 =	rddreg [dreg:$0x2];
	[bflag:$0x3] =	sbarrier.arrive $0xFFFF;
	s2 =	simm.s32 @!p0 $0x1C05  }
0x109: {  	[timem:s3], [sflag:s2] =	dma.local @!p0 [hbm:s0], s1  }
0x10a: {  	s0 =	simm.s32 @!p0 $0x5  }
0x10b: {  	_ =	swait.ge @!p0 [sflag:s0], s1  }
0x10c: {  	s1 =	ssub.s32 @!p0 $0x0, s1;
	[sflag:s0] =	ssyncset.done @!p0 $0x0  }
0x10d: {  	[sflag:s0] =	ssyncadd.s32 @!p0 s1  }
0x10e: {  	[bflag:$0x3] =	sbarrier.arrive $0xFFFF  }
0x10f: {  	_ =	shalt  }

</sc_bundles>
